<compile_context>
chip_gen: v7x
topology: tpu7x:2x2x1
jax: 0.10.2.dev20260603
libtpu: 0.0.44.dev20260713+nightly
codegen_flags: <defaults>
</compile_context>

<pallas_src>
import functools

import jax
import jax.numpy as jnp
from jax import lax
from jax.experimental import pallas as pl
from jax.experimental.pallas import tpu as pltpu
from jax.experimental.pallas import tpu_sc as plsc

BATCH = 4
SEQ = 2048
N_TOKENS = 8192
D = 8192

NC = 2
NS = 16
NW = NC * NS
B_TOTAL = BATCH * SEQ
BPW = B_TOTAL // NW
CH = 4
NBUF = 3
NCHUNK = BPW // CH

_mesh = plsc.VectorSubcoreMesh(core_axis_name="c", subcore_axis_name="s")


@functools.partial(
    pl.kernel,
    mesh=_mesh,
    out_type=jax.ShapeDtypeStruct((B_TOTAL, D), jnp.float32),
    scratch_types=[
        pltpu.VMEM((NCHUNK, CH), jnp.int32),
        pltpu.VMEM((NBUF, CH, D), jnp.float32),
        pltpu.SemaphoreType.DMA,
        pltpu.SemaphoreType.DMA,
        pltpu.SemaphoreType.DMA,
        pltpu.SemaphoreType.DMA,
        pltpu.SemaphoreType.DMA,
        pltpu.SemaphoreType.DMA,
    ],
)
def _sc_gather(x_hbm, table_hbm, out_hbm, idx_v, rows_v,
               g0, g1, g2, s0, s1, s2):
    wid = lax.axis_index("s") * NC + lax.axis_index("c")
    base = wid * BPW
    gsems = (g0, g1, g2)
    ssems = (s0, s1, s2)
    pltpu.sync_copy(x_hbm.at[wid], idx_v)

    def g_start(slot, i):
        pltpu.async_copy(table_hbm.at[idx_v.at[i]], rows_v.at[slot],
                         gsems[slot])

    def g_wait(slot):
        pltpu.make_async_copy(table_hbm.at[pl.ds(0, CH)], rows_v.at[slot],
                              gsems[slot]).wait()

    def s_start(slot, i):
        pltpu.async_copy(rows_v.at[slot], out_hbm.at[pl.ds(base + i * CH, CH)],
                         ssems[slot])

    def s_wait(slot):
        pltpu.make_async_copy(rows_v.at[slot], out_hbm.at[pl.ds(0, CH)],
                              ssems[slot]).wait()

    def step(k, i, drain=True, ahead=True):
        nxt = (k + 2) % NBUF
        if drain:
            s_wait(nxt)
        if ahead:
            g_start(nxt, i + 2)
        g_wait(k)
        s_start(k, i)

    g_start(0, 0)
    g_start(1, 1)
    step(0, 0, drain=False)
    step(1, 1)
    step(2, 2)
    lax.fori_loop(
        1, 20,
        lambda g, c: (step(0, 3 * g), step(1, 3 * g + 1), step(2, 3 * g + 2),
                      c)[-1],
        0)
    step(0, 60)
    step(1, 61)
    step(2, 62, ahead=False)
    step(0, 63, drain=False, ahead=False)
    s_wait(2)
    s_wait(0)


def kernel(x, table):
    idx = x.reshape(NW, NCHUNK, CH).astype(jnp.int32)
    out = _sc_gather(idx, table)
    return out.reshape(BATCH, SEQ, D)

# --- scband reference (transcript-rebuilt; emitter-appended) ---
"""Pipeline reference for scband-gpt-31817117729005 (READ-ONLY COPY).

The authoritative reference and input builder live on the scoring server;
editing this copy changes nothing except your own understanding.
"""

import jax, jax.numpy as jnp
import numpy as np

N_TOKENS = 8192
BATCH = 4
SEQ = 2048

def setup_inputs(seed: int = 0) -> dict:
    key = jax.random.key(seed)
    k1, k2 = jax.random.split(key)
    x = jax.random.randint(k1, (BATCH, SEQ), 0, N_TOKENS, dtype=jnp.int64 if jax.config.jax_enable_x64 else jnp.int32)
    # nn.Embedding default init: N(0, 1)
    table = jax.random.normal(k2, (N_TOKENS, N_TOKENS), dtype=jnp.float32)
    return {"x": x, "table": table}

def reference(x, table):
    # GPT.forward with y=None: logits = token_embedding_table(x)
    logits = jnp.take(table, x, axis=0)  # [B, S, n_tokens]
    return logits

if __name__ == "__main__":
    import jax
    _d = setup_inputs()
    print(jax.jit(kernel)(*tuple(_d.values())))

</pallas_src>

<mosaic_0001>
#map = affine_map<(d0, d1) -> (0, 0, 0)>
#map1 = affine_map<(d0, d1) -> (0, 0)>
module attributes {stable_mosaic.version = 14 : i64} {
  func.func @_sc_gather(%arg0: i32, %arg1: i32, %arg2: memref<32x64x4xi32, #tpu.memory_space<hbm>>, %arg3: memref<8192x8192xf32, #tpu.memory_space<hbm>>, %arg4: memref<8192x8192xf32, #tpu.memory_space<hbm>>, %arg5: memref<64x4xi32, #tpu.memory_space<vmem>>, %arg6: memref<3x4x8192xf32, #tpu.memory_space<vmem>>, %arg7: memref<!tpu.dma_semaphore, #tpu.memory_space<semaphore_mem>>, %arg8: memref<!tpu.dma_semaphore, #tpu.memory_space<semaphore_mem>>, %arg9: memref<!tpu.dma_semaphore, #tpu.memory_space<semaphore_mem>>, %arg10: memref<!tpu.dma_semaphore, #tpu.memory_space<semaphore_mem>>, %arg11: memref<!tpu.dma_semaphore, #tpu.memory_space<semaphore_mem>>, %arg12: memref<!tpu.dma_semaphore, #tpu.memory_space<semaphore_mem>>) attributes {dimension_semantics = [#tpu.dimension_semantics<core_parallel>, #tpu.dimension_semantics<subcore_parallel>], iteration_bounds = array<i64: 2, 16>, scalar_prefetch = 0 : i64, scratch_operands = 8 : i64, tpu.core_type = #tpu.core_type<sc_vector_subcore>, window_params = [{transform_indices = #map}, {transform_indices = #map1}, {transform_indices = #map1}]} {
    %mul3A = arith.constant 2 : i32
    %mul3A_0 = arith.muli %arg1, %mul3A : i32
    %add3A = arith.addi %mul3A_0, %arg0 : i32
    %mul3A_1 = arith.constant 256 : i32
    %mul3A_2 = arith.muli %add3A, %mul3A_1 : i32
    "tpu.region"() ({
      %run_scoped3A = tpu.sem_alloc : memref<!tpu.dma_semaphore, #tpu.memory_space<semaphore_mem>>
      %dma_start3A_405 = arith.constant 0 : i32
      %dma_start3A_406 = arith.constant 0 : i32
      %dma_start3A_407 = tpu.memref_slice %arg2[%add3A, %dma_start3A_405, %dma_start3A_406] : memref<32x64x4xi32, #tpu.memory_space<hbm>> -> memref<1x64x4xi32, #tpu.memory_space<hbm>>
      %dma_start3A_408 = tpu.memref_squeeze %dma_start3A_407 : memref<1x64x4xi32, #tpu.memory_space<hbm>> -> memref<64x4xi32, #tpu.memory_space<hbm>>
      %dma_start3A_409 = arith.constant 0 : i32
      %dma_start3A_410 = arith.constant 0 : i32
      %dma_start3A_411 = tpu.memref_slice %arg2[%add3A, %dma_start3A_409, %dma_start3A_410] : memref<32x64x4xi32, #tpu.memory_space<hbm>> -> memref<1x64x4xi32, #tpu.memory_space<hbm>>
      %dma_start3A_412 = tpu.memref_squeeze %dma_start3A_411 : memref<1x64x4xi32, #tpu.memory_space<hbm>> -> memref<64x4xi32, #tpu.memory_space<hbm>>
      tpu.enqueue_dma source(%dma_start3A_412 : memref<64x4xi32, #tpu.memory_space<hbm>>) target(%arg5 : memref<64x4xi32, #tpu.memory_space<vmem>>) target_semaphore(%run_scoped3A : memref<!tpu.dma_semaphore, #tpu.memory_space<semaphore_mem>>)
      %dma_wait3A_413 = arith.constant 0 : i32
      %dma_wait3A_414 = arith.constant 0 : i32
      %dma_wait3A_415 = tpu.memref_slice %arg2[%add3A, %dma_wait3A_413, %dma_wait3A_414] : memref<32x64x4xi32, #tpu.memory_space<hbm>> -> memref<1x64x4xi32, #tpu.memory_space<hbm>>
      %dma_wait3A_416 = tpu.memref_squeeze %dma_wait3A_415 : memref<1x64x4xi32, #tpu.memory_space<hbm>> -> memref<64x4xi32, #tpu.memory_space<hbm>>
      %dma_wait3A_417 = arith.constant 0 : i32
      %dma_wait3A_418 = arith.constant 0 : i32
      %dma_wait3A_419 = tpu.memref_slice %arg2[%add3A, %dma_wait3A_417, %dma_wait3A_418] : memref<32x64x4xi32, #tpu.memory_space<hbm>> -> memref<1x64x4xi32, #tpu.memory_space<hbm>>
      %dma_wait3A_420 = tpu.memref_squeeze %dma_wait3A_419 : memref<1x64x4xi32, #tpu.memory_space<hbm>> -> memref<64x4xi32, #tpu.memory_space<hbm>>
      tpu.wait_dma2 semaphore(%run_scoped3A : memref<!tpu.dma_semaphore, #tpu.memory_space<semaphore_mem>>) src(%dma_wait3A_420 : memref<64x4xi32, #tpu.memory_space<hbm>>) dst(%arg5 : memref<64x4xi32, #tpu.memory_space<vmem>>)
      tpu.yield
    }) : () -> ()
    %dma_start3A = arith.constant 0 : i32
    %dma_start3A_3 = arith.constant 0 : i32
    %dma_start3A_4 = arith.constant 0 : i32
    %dma_start3A_5 = arith.constant 0 : i32
    %dma_start3A_6 = tpu.memref_slice %arg6[%dma_start3A_3, %dma_start3A_4, %dma_start3A_5] : memref<3x4x8192xf32, #tpu.memory_space<vmem>> -> memref<1x4x8192xf32, #tpu.memory_space<vmem>>
    %dma_start3A_7 = tpu.memref_squeeze %dma_start3A_6 : memref<1x4x8192xf32, #tpu.memory_space<vmem>> -> memref<4x8192xf32, #tpu.memory_space<vmem>>
    %dma_start3A_8 = arith.constant 0 : i32
    %dma_start3A_9 = tpu.memref_slice %arg5[%dma_start3A, %dma_start3A_8] : memref<64x4xi32, #tpu.memory_space<vmem>> -> memref<1x4xi32, #tpu.memory_space<vmem>>
    %dma_start3A_10 = tpu.memref_squeeze %dma_start3A_9 : memref<1x4xi32, #tpu.memory_space<vmem>> -> memref<4xi32, #tpu.memory_space<vmem>>
    %dma_start3A_11 = arith.constant 0 : i32
    %dma_start3A_12 = arith.constant 0 : i32
    %dma_start3A_13 = tpu.memref_slice %arg3[%dma_start3A_11, %dma_start3A_12] : memref<8192x8192xf32, #tpu.memory_space<hbm>> -> memref<8192x8192xf32, #tpu.memory_space<hbm>>
    tpu.enqueue_indirect_dma source(%dma_start3A_13 : memref<8192x8192xf32, #tpu.memory_space<hbm>>) target(%dma_start3A_7 : memref<4x8192xf32, #tpu.memory_space<vmem>>) offsets(%dma_start3A_10 : memref<4xi32, #tpu.memory_space<vmem>>) semaphore(%arg7 : memref<!tpu.dma_semaphore, #tpu.memory_space<semaphore_mem>>)
    %dma_start3A_14 = arith.constant 1 : i32
    %dma_start3A_15 = arith.constant 1 : i32
    %dma_start3A_16 = arith.constant 0 : i32
    %dma_start3A_17 = arith.constant 0 : i32
    %dma_start3A_18 = tpu.memref_slice %arg6[%dma_start3A_15, %dma_start3A_16, %dma_start3A_17] : memref<3x4x8192xf32, #tpu.memory_space<vmem>> -> memref<1x4x8192xf32, #tpu.memory_space<vmem>>
    %dma_start3A_19 = tpu.memref_squeeze %dma_start3A_18 : memref<1x4x8192xf32, #tpu.memory_space<vmem>> -> memref<4x8192xf32, #tpu.memory_space<vmem>>
    %dma_start3A_20 = arith.constant 0 : i32
    %dma_start3A_21 = tpu.memref_slice %arg5[%dma_start3A_14, %dma_start3A_20] : memref<64x4xi32, #tpu.memory_space<vmem>> -> memref<1x4xi32, #tpu.memory_space<vmem>>
    %dma_start3A_22 = tpu.memref_squeeze %dma_start3A_21 : memref<1x4xi32, #tpu.memory_space<vmem>> -> memref<4xi32, #tpu.memory_space<vmem>>
    %dma_start3A_23 = arith.constant 0 : i32
    %dma_start3A_24 = arith.constant 0 : i32
    %dma_start3A_25 = tpu.memref_slice %arg3[%dma_start3A_23, %dma_start3A_24] : memref<8192x8192xf32, #tpu.memory_space<hbm>> -> memref<8192x8192xf32, #tpu.memory_space<hbm>>
    tpu.enqueue_indirect_dma source(%dma_start3A_25 : memref<8192x8192xf32, #tpu.memory_space<hbm>>) target(%dma_start3A_19 : memref<4x8192xf32, #tpu.memory_space<vmem>>) offsets(%dma_start3A_22 : memref<4xi32, #tpu.memory_space<vmem>>) semaphore(%arg8 : memref<!tpu.dma_semaphore, #tpu.memory_space<semaphore_mem>>)
    %dma_start3A_26 = arith.constant 2 : i32
    %dma_start3A_27 = arith.constant 2 : i32
    %dma_start3A_28 = arith.constant 0 : i32
    %dma_start3A_29 = arith.constant 0 : i32
    %dma_start3A_30 = tpu.memref_slice %arg6[%dma_start3A_27, %dma_start3A_28, %dma_start3A_29] : memref<3x4x8192xf32, #tpu.memory_space<vmem>> -> memref<1x4x8192xf32, #tpu.memory_space<vmem>>
    %dma_start3A_31 = tpu.memref_squeeze %dma_start3A_30 : memref<1x4x8192xf32, #tpu.memory_space<vmem>> -> memref<4x8192xf32, #tpu.memory_space<vmem>>
    %dma_start3A_32 = arith.constant 0 : i32
    %dma_start3A_33 = tpu.memref_slice %arg5[%dma_start3A_26, %dma_start3A_32] : memref<64x4xi32, #tpu.memory_space<vmem>> -> memref<1x4xi32, #tpu.memory_space<vmem>>
    %dma_start3A_34 = tpu.memref_squeeze %dma_start3A_33 : memref<1x4xi32, #tpu.memory_space<vmem>> -> memref<4xi32, #tpu.memory_space<vmem>>
    %dma_start3A_35 = arith.constant 0 : i32
    %dma_start3A_36 = arith.constant 0 : i32
    %dma_start3A_37 = tpu.memref_slice %arg3[%dma_start3A_35, %dma_start3A_36] : memref<8192x8192xf32, #tpu.memory_space<hbm>> -> memref<8192x8192xf32, #tpu.memory_space<hbm>>
    tpu.enqueue_indirect_dma source(%dma_start3A_37 : memref<8192x8192xf32, #tpu.memory_space<hbm>>) target(%dma_start3A_31 : memref<4x8192xf32, #tpu.memory_space<vmem>>) offsets(%dma_start3A_34 : memref<4xi32, #tpu.memory_space<vmem>>) semaphore(%arg9 : memref<!tpu.dma_semaphore, #tpu.memory_space<semaphore_mem>>)
    %dma_wait3A = arith.constant 0 : i32
    %dma_wait3A_38 = arith.constant 0 : i32
    %dma_wait3A_39 = arith.constant 0 : i32
    %dma_wait3A_40 = tpu.memref_slice %arg6[%dma_wait3A, %dma_wait3A_38, %dma_wait3A_39] : memref<3x4x8192xf32, #tpu.memory_space<vmem>> -> memref<1x4x8192xf32, #tpu.memory_space<vmem>>
    %dma_wait3A_41 = tpu.memref_squeeze %dma_wait3A_40 : memref<1x4x8192xf32, #tpu.memory_space<vmem>> -> memref<4x8192xf32, #tpu.memory_space<vmem>>
    %dma_wait3A_42 = arith.constant 0 : i32
    %dma_wait3A_43 = arith.constant 0 : i32
    %dma_wait3A_44 = tpu.memref_slice %arg3[%dma_wait3A_42, %dma_wait3A_43] : memref<8192x8192xf32, #tpu.memory_space<hbm>> -> memref<4x8192xf32, #tpu.memory_space<hbm>>
    %dma_wait3A_45 = arith.constant 0 : i32
    %dma_wait3A_46 = arith.constant 0 : i32
    %dma_wait3A_47 = tpu.memref_slice %arg6[%dma_wait3A, %dma_wait3A_45, %dma_wait3A_46] : memref<3x4x8192xf32, #tpu.memory_space<vmem>> -> memref<1x4x8192xf32, #tpu.memory_space<vmem>>
    %dma_wait3A_48 = tpu.memref_squeeze %dma_wait3A_47 : memref<1x4x8192xf32, #tpu.memory_space<vmem>> -> memref<4x8192xf32, #tpu.memory_space<vmem>>
    %dma_wait3A_49 = arith.constant 0 : i32
    %dma_wait3A_50 = arith.constant 0 : i32
    %dma_wait3A_51 = tpu.memref_slice %arg3[%dma_wait3A_49, %dma_wait3A_50] : memref<8192x8192xf32, #tpu.memory_space<hbm>> -> memref<4x8192xf32, #tpu.memory_space<hbm>>
    tpu.wait_dma2 semaphore(%arg7 : memref<!tpu.dma_semaphore, #tpu.memory_space<semaphore_mem>>) src(%dma_wait3A_51 : memref<4x8192xf32, #tpu.memory_space<hbm>>) dst(%dma_wait3A_48 : memref<4x8192xf32, #tpu.memory_space<vmem>>)
    %add3A_52 = arith.constant 0 : i32
    %add3A_53 = arith.addi %mul3A_2, %add3A_52 : i32
    %dma_start3A_54 = arith.constant 0 : i32
    %dma_start3A_55 = arith.constant 0 : i32
    %dma_start3A_56 = arith.constant 0 : i32
    %dma_start3A_57 = tpu.memref_slice %arg6[%dma_start3A_54, %dma_start3A_55, %dma_start3A_56] : memref<3x4x8192xf32, #tpu.memory_space<vmem>> -> memref<1x4x8192xf32, #tpu.memory_space<vmem>>
    %dma_start3A_58 = tpu.memref_squeeze %dma_start3A_57 : memref<1x4x8192xf32, #tpu.memory_space<vmem>> -> memref<4x8192xf32, #tpu.memory_space<vmem>>
    %dma_start3A_59 = arith.constant 0 : i32
    %dma_start3A_60 = tpu.memref_slice %arg4[%add3A_53, %dma_start3A_59] : memref<8192x8192xf32, #tpu.memory_space<hbm>> -> memref<4x8192xf32, #tpu.memory_space<hbm>>
    %dma_start3A_61 = arith.constant 0 : i32
    %dma_start3A_62 = tpu.memref_slice %arg4[%add3A_53, %dma_start3A_61] : memref<8192x8192xf32, #tpu.memory_space<hbm>> -> memref<4x8192xf32, #tpu.memory_space<hbm>>
    %dma_start3A_63 = arith.constant 0 : i32
    %dma_start3A_64 = arith.constant 0 : i32
    %dma_start3A_65 = tpu.memref_slice %arg6[%dma_start3A_54, %dma_start3A_63, %dma_start3A_64] : memref<3x4x8192xf32, #tpu.memory_space<vmem>> -> memref<1x4x8192xf32, #tpu.memory_space<vmem>>
    %dma_start3A_66 = tpu.memref_squeeze %dma_start3A_65 : memref<1x4x8192xf32, #tpu.memory_space<vmem>> -> memref<4x8192xf32, #tpu.memory_space<vmem>>
    tpu.enqueue_dma source(%dma_start3A_66 : memref<4x8192xf32, #tpu.memory_space<vmem>>) target(%dma_start3A_62 : memref<4x8192xf32, #tpu.memory_space<hbm>>) target_semaphore(%arg10 : memref<!tpu.dma_semaphore, #tpu.memory_space<semaphore_mem>>)
    %dma_wait3A_67 = arith.constant 0 : i32
    %dma_wait3A_68 = arith.constant 0 : i32
    %dma_wait3A_69 = arith.constant 0 : i32
    %dma_wait3A_70 = tpu.memref_slice %arg6[%dma_wait3A_67, %dma_wait3A_68, %dma_wait3A_69] : memref<3x4x8192xf32, #tpu.memory_space<vmem>> -> memref<1x4x8192xf32, #tpu.memory_space<vmem>>
    %dma_wait3A_71 = tpu.memref_squeeze %dma_wait3A_70 : memref<1x4x8192xf32, #tpu.memory_space<vmem>> -> memref<4x8192xf32, #tpu.memory_space<vmem>>
    %dma_wait3A_72 = arith.constant 0 : i32
    %dma_wait3A_73 = arith.constant 0 : i32
    %dma_wait3A_74 = tpu.memref_slice %arg4[%dma_wait3A_72, %dma_wait3A_73] : memref<8192x8192xf32, #tpu.memory_space<hbm>> -> memref<4x8192xf32, #tpu.memory_space<hbm>>
    %dma_wait3A_75 = arith.constant 0 : i32
    %dma_wait3A_76 = arith.constant 0 : i32
    %dma_wait3A_77 = tpu.memref_slice %arg4[%dma_wait3A_75, %dma_wait3A_76] : memref<8192x8192xf32, #tpu.memory_space<hbm>> -> memref<4x8192xf32, #tpu.memory_space<hbm>>
    %dma_wait3A_78 = arith.constant 0 : i32
    %dma_wait3A_79 = arith.constant 0 : i32
    %dma_wait3A_80 = tpu.memref_slice %arg6[%dma_wait3A_67, %dma_wait3A_78, %dma_wait3A_79] : memref<3x4x8192xf32, #tpu.memory_space<vmem>> -> memref<1x4x8192xf32, #tpu.memory_space<vmem>>
    %dma_wait3A_81 = tpu.memref_squeeze %dma_wait3A_80 : memref<1x4x8192xf32, #tpu.memory_space<vmem>> -> memref<4x8192xf32, #tpu.memory_space<vmem>>
    tpu.wait_dma2 semaphore(%arg10 : memref<!tpu.dma_semaphore, #tpu.memory_space<semaphore_mem>>) src(%dma_wait3A_81 : memref<4x8192xf32, #tpu.memory_space<vmem>>) dst(%dma_wait3A_77 : memref<4x8192xf32, #tpu.memory_space<hbm>>)
    %dma_start3A_82 = arith.constant 3 : i32
    %dma_start3A_83 = arith.constant 0 : i32
    %dma_start3A_84 = arith.constant 0 : i32
    %dma_start3A_85 = arith.constant 0 : i32
    %dma_start3A_86 = tpu.memref_slice %arg6[%dma_start3A_83, %dma_start3A_84, %dma_start3A_85] : memref<3x4x8192xf32, #tpu.memory_space<vmem>> -> memref<1x4x8192xf32, #tpu.memory_space<vmem>>
    %dma_start3A_87 = tpu.memref_squeeze %dma_start3A_86 : memref<1x4x8192xf32, #tpu.memory_space<vmem>> -> memref<4x8192xf32, #tpu.memory_space<vmem>>
    %dma_start3A_88 = arith.constant 0 : i32
    %dma_start3A_89 = tpu.memref_slice %arg5[%dma_start3A_82, %dma_start3A_88] : memref<64x4xi32, #tpu.memory_space<vmem>> -> memref<1x4xi32, #tpu.memory_space<vmem>>
    %dma_start3A_90 = tpu.memref_squeeze %dma_start3A_89 : memref<1x4xi32, #tpu.memory_space<vmem>> -> memref<4xi32, #tpu.memory_space<vmem>>
    %dma_start3A_91 = arith.constant 0 : i32
    %dma_start3A_92 = arith.constant 0 : i32
    %dma_start3A_93 = tpu.memref_slice %arg3[%dma_start3A_91, %dma_start3A_92] : memref<8192x8192xf32, #tpu.memory_space<hbm>> -> memref<8192x8192xf32, #tpu.memory_space<hbm>>
    tpu.enqueue_indirect_dma source(%dma_start3A_93 : memref<8192x8192xf32, #tpu.memory_space<hbm>>) target(%dma_start3A_87 : memref<4x8192xf32, #tpu.memory_space<vmem>>) offsets(%dma_start3A_90 : memref<4xi32, #tpu.memory_space<vmem>>) semaphore(%arg7 : memref<!tpu.dma_semaphore, #tpu.memory_space<semaphore_mem>>)
    %dma_wait3A_94 = arith.constant 1 : i32
    %dma_wait3A_95 = arith.constant 0 : i32
    %dma_wait3A_96 = arith.constant 0 : i32
    %dma_wait3A_97 = tpu.memref_slice %arg6[%dma_wait3A_94, %dma_wait3A_95, %dma_wait3A_96] : memref<3x4x8192xf32, #tpu.memory_space<vmem>> -> memref<1x4x8192xf32, #tpu.memory_space<vmem>>
    %dma_wait3A_98 = tpu.memref_squeeze %dma_wait3A_97 : memref<1x4x8192xf32, #tpu.memory_space<vmem>> -> memref<4x8192xf32, #tpu.memory_space<vmem>>
    %dma_wait3A_99 = arith.constant 0 : i32
    %dma_wait3A_100 = arith.constant 0 : i32
    %dma_wait3A_101 = tpu.memref_slice %arg3[%dma_wait3A_99, %dma_wait3A_100] : memref<8192x8192xf32, #tpu.memory_space<hbm>> -> memref<4x8192xf32, #tpu.memory_space<hbm>>
    %dma_wait3A_102 = arith.constant 0 : i32
    %dma_wait3A_103 = arith.constant 0 : i32
    %dma_wait3A_104 = tpu.memref_slice %arg6[%dma_wait3A_94, %dma_wait3A_102, %dma_wait3A_103] : memref<3x4x8192xf32, #tpu.memory_space<vmem>> -> memref<1x4x8192xf32, #tpu.memory_space<vmem>>
    %dma_wait3A_105 = tpu.memref_squeeze %dma_wait3A_104 : memref<1x4x8192xf32, #tpu.memory_space<vmem>> -> memref<4x8192xf32, #tpu.memory_space<vmem>>
    %dma_wait3A_106 = arith.constant 0 : i32
    %dma_wait3A_107 = arith.constant 0 : i32
    %dma_wait3A_108 = tpu.memref_slice %arg3[%dma_wait3A_106, %dma_wait3A_107] : memref<8192x8192xf32, #tpu.memory_space<hbm>> -> memref<4x8192xf32, #tpu.memory_space<hbm>>
    tpu.wait_dma2 semaphore(%arg8 : memref<!tpu.dma_semaphore, #tpu.memory_space<semaphore_mem>>) src(%dma_wait3A_108 : memref<4x8192xf32, #tpu.memory_space<hbm>>) dst(%dma_wait3A_105 : memref<4x8192xf32, #tpu.memory_space<vmem>>)
    %add3A_109 = arith.constant 4 : i32
    %add3A_110 = arith.addi %mul3A_2, %add3A_109 : i32
    %dma_start3A_111 = arith.constant 1 : i32
    %dma_start3A_112 = arith.constant 0 : i32
    %dma_start3A_113 = arith.constant 0 : i32
    %dma_start3A_114 = tpu.memref_slice %arg6[%dma_start3A_111, %dma_start3A_112, %dma_start3A_113] : memref<3x4x8192xf32, #tpu.memory_space<vmem>> -> memref<1x4x8192xf32, #tpu.memory_space<vmem>>
    %dma_start3A_115 = tpu.memref_squeeze %dma_start3A_114 : memref<1x4x8192xf32, #tpu.memory_space<vmem>> -> memref<4x8192xf32, #tpu.memory_space<vmem>>
    %dma_start3A_116 = arith.constant 0 : i32
    %dma_start3A_117 = tpu.memref_slice %arg4[%add3A_110, %dma_start3A_116] : memref<8192x8192xf32, #tpu.memory_space<hbm>> -> memref<4x8192xf32, #tpu.memory_space<hbm>>
    %dma_start3A_118 = arith.constant 0 : i32
    %dma_start3A_119 = tpu.memref_slice %arg4[%add3A_110, %dma_start3A_118] : memref<8192x8192xf32, #tpu.memory_space<hbm>> -> memref<4x8192xf32, #tpu.memory_space<hbm>>
    %dma_start3A_120 = arith.constant 0 : i32
    %dma_start3A_121 = arith.constant 0 : i32
    %dma_start3A_122 = tpu.memref_slice %arg6[%dma_start3A_111, %dma_start3A_120, %dma_start3A_121] : memref<3x4x8192xf32, #tpu.memory_space<vmem>> -> memref<1x4x8192xf32, #tpu.memory_space<vmem>>
    %dma_start3A_123 = tpu.memref_squeeze %dma_start3A_122 : memref<1x4x8192xf32, #tpu.memory_space<vmem>> -> memref<4x8192xf32, #tpu.memory_space<vmem>>
    tpu.enqueue_dma source(%dma_start3A_123 : memref<4x8192xf32, #tpu.memory_space<vmem>>) target(%dma_start3A_119 : memref<4x8192xf32, #tpu.memory_space<hbm>>) target_semaphore(%arg11 : memref<!tpu.dma_semaphore, #tpu.memory_space<semaphore_mem>>)
    %dma_wait3A_124 = arith.constant 1 : i32
    %dma_wait3A_125 = arith.constant 0 : i32
    %dma_wait3A_126 = arith.constant 0 : i32
    %dma_wait3A_127 = tpu.memref_slice %arg6[%dma_wait3A_124, %dma_wait3A_125, %dma_wait3A_126] : memref<3x4x8192xf32, #tpu.memory_space<vmem>> -> memref<1x4x8192xf32, #tpu.memory_space<vmem>>
    %dma_wait3A_128 = tpu.memref_squeeze %dma_wait3A_127 : memref<1x4x8192xf32, #tpu.memory_space<vmem>> -> memref<4x8192xf32, #tpu.memory_space<vmem>>
    %dma_wait3A_129 = arith.constant 0 : i32
    %dma_wait3A_130 = arith.constant 0 : i32
    %dma_wait3A_131 = tpu.memref_slice %arg4[%dma_wait3A_129, %dma_wait3A_130] : memref<8192x8192xf32, #tpu.memory_space<hbm>> -> memref<4x8192xf32, #tpu.memory_space<hbm>>
    %dma_wait3A_132 = arith.constant 0 : i32
    %dma_wait3A_133 = arith.constant 0 : i32
    %dma_wait3A_134 = tpu.memref_slice %arg4[%dma_wait3A_132, %dma_wait3A_133] : memref<8192x8192xf32, #tpu.memory_space<hbm>> -> memref<4x8192xf32, #tpu.memory_space<hbm>>
    %dma_wait3A_135 = arith.constant 0 : i32
    %dma_wait3A_136 = arith.constant 0 : i32
    %dma_wait3A_137 = tpu.memref_slice %arg6[%dma_wait3A_124, %dma_wait3A_135, %dma_wait3A_136] : memref<3x4x8192xf32, #tpu.memory_space<vmem>> -> memref<1x4x8192xf32, #tpu.memory_space<vmem>>
    %dma_wait3A_138 = tpu.memref_squeeze %dma_wait3A_137 : memref<1x4x8192xf32, #tpu.memory_space<vmem>> -> memref<4x8192xf32, #tpu.memory_space<vmem>>
    tpu.wait_dma2 semaphore(%arg11 : memref<!tpu.dma_semaphore, #tpu.memory_space<semaphore_mem>>) src(%dma_wait3A_138 : memref<4x8192xf32, #tpu.memory_space<vmem>>) dst(%dma_wait3A_134 : memref<4x8192xf32, #tpu.memory_space<hbm>>)
    %dma_start3A_139 = arith.constant 4 : i32
    %dma_start3A_140 = arith.constant 1 : i32
    %dma_start3A_141 = arith.constant 0 : i32
    %dma_start3A_142 = arith.constant 0 : i32
    %dma_start3A_143 = tpu.memref_slice %arg6[%dma_start3A_140, %dma_start3A_141, %dma_start3A_142] : memref<3x4x8192xf32, #tpu.memory_space<vmem>> -> memref<1x4x8192xf32, #tpu.memory_space<vmem>>
    %dma_start3A_144 = tpu.memref_squeeze %dma_start3A_143 : memref<1x4x8192xf32, #tpu.memory_space<vmem>> -> memref<4x8192xf32, #tpu.memory_space<vmem>>
    %dma_start3A_145 = arith.constant 0 : i32
    %dma_start3A_146 = tpu.memref_slice %arg5[%dma_start3A_139, %dma_start3A_145] : memref<64x4xi32, #tpu.memory_space<vmem>> -> memref<1x4xi32, #tpu.memory_space<vmem>>
    %dma_start3A_147 = tpu.memref_squeeze %dma_start3A_146 : memref<1x4xi32, #tpu.memory_space<vmem>> -> memref<4xi32, #tpu.memory_space<vmem>>
    %dma_start3A_148 = arith.constant 0 : i32
    %dma_start3A_149 = arith.constant 0 : i32
    %dma_start3A_150 = tpu.memref_slice %arg3[%dma_start3A_148, %dma_start3A_149] : memref<8192x8192xf32, #tpu.memory_space<hbm>> -> memref<8192x8192xf32, #tpu.memory_space<hbm>>
    tpu.enqueue_indirect_dma source(%dma_start3A_150 : memref<8192x8192xf32, #tpu.memory_space<hbm>>) target(%dma_start3A_144 : memref<4x8192xf32, #tpu.memory_space<vmem>>) offsets(%dma_start3A_147 : memref<4xi32, #tpu.memory_space<vmem>>) semaphore(%arg8 : memref<!tpu.dma_semaphore, #tpu.memory_space<semaphore_mem>>)
    %dma_wait3A_151 = arith.constant 2 : i32
    %dma_wait3A_152 = arith.constant 0 : i32
    %dma_wait3A_153 = arith.constant 0 : i32
    %dma_wait3A_154 = tpu.memref_slice %arg6[%dma_wait3A_151, %dma_wait3A_152, %dma_wait3A_153] : memref<3x4x8192xf32, #tpu.memory_space<vmem>> -> memref<1x4x8192xf32, #tpu.memory_space<vmem>>
    %dma_wait3A_155 = tpu.memref_squeeze %dma_wait3A_154 : memref<1x4x8192xf32, #tpu.memory_space<vmem>> -> memref<4x8192xf32, #tpu.memory_space<vmem>>
    %dma_wait3A_156 = arith.constant 0 : i32
    %dma_wait3A_157 = arith.constant 0 : i32
    %dma_wait3A_158 = tpu.memref_slice %arg3[%dma_wait3A_156, %dma_wait3A_157] : memref<8192x8192xf32, #tpu.memory_space<hbm>> -> memref<4x8192xf32, #tpu.memory_space<hbm>>
    %dma_wait3A_159 = arith.constant 0 : i32
    %dma_wait3A_160 = arith.constant 0 : i32
    %dma_wait3A_161 = tpu.memref_slice %arg6[%dma_wait3A_151, %dma_wait3A_159, %dma_wait3A_160] : memref<3x4x8192xf32, #tpu.memory_space<vmem>> -> memref<1x4x8192xf32, #tpu.memory_space<vmem>>
    %dma_wait3A_162 = tpu.memref_squeeze %dma_wait3A_161 : memref<1x4x8192xf32, #tpu.memory_space<vmem>> -> memref<4x8192xf32, #tpu.memory_space<vmem>>
    %dma_wait3A_163 = arith.constant 0 : i32
    %dma_wait3A_164 = arith.constant 0 : i32
    %dma_wait3A_165 = tpu.memref_slice %arg3[%dma_wait3A_163, %dma_wait3A_164] : memref<8192x8192xf32, #tpu.memory_space<hbm>> -> memref<4x8192xf32, #tpu.memory_space<hbm>>
    tpu.wait_dma2 semaphore(%arg9 : memref<!tpu.dma_semaphore, #tpu.memory_space<semaphore_mem>>) src(%dma_wait3A_165 : memref<4x8192xf32, #tpu.memory_space<hbm>>) dst(%dma_wait3A_162 : memref<4x8192xf32, #tpu.memory_space<vmem>>)
    %add3A_166 = arith.constant 8 : i32
    %add3A_167 = arith.addi %mul3A_2, %add3A_166 : i32
    %dma_start3A_168 = arith.constant 2 : i32
    %dma_start3A_169 = arith.constant 0 : i32
    %dma_start3A_170 = arith.constant 0 : i32
    %dma_start3A_171 = tpu.memref_slice %arg6[%dma_start3A_168, %dma_start3A_169, %dma_start3A_170] : memref<3x4x8192xf32, #tpu.memory_space<vmem>> -> memref<1x4x8192xf32, #tpu.memory_space<vmem>>
    %dma_start3A_172 = tpu.memref_squeeze %dma_start3A_171 : memref<1x4x8192xf32, #tpu.memory_space<vmem>> -> memref<4x8192xf32, #tpu.memory_space<vmem>>
    %dma_start3A_173 = arith.constant 0 : i32
    %dma_start3A_174 = tpu.memref_slice %arg4[%add3A_167, %dma_start3A_173] : memref<8192x8192xf32, #tpu.memory_space<hbm>> -> memref<4x8192xf32, #tpu.memory_space<hbm>>
    %dma_start3A_175 = arith.constant 0 : i32
    %dma_start3A_176 = tpu.memref_slice %arg4[%add3A_167, %dma_start3A_175] : memref<8192x8192xf32, #tpu.memory_space<hbm>> -> memref<4x8192xf32, #tpu.memory_space<hbm>>
    %dma_start3A_177 = arith.constant 0 : i32
    %dma_start3A_178 = arith.constant 0 : i32
    %dma_start3A_179 = tpu.memref_slice %arg6[%dma_start3A_168, %dma_start3A_177, %dma_start3A_178] : memref<3x4x8192xf32, #tpu.memory_space<vmem>> -> memref<1x4x8192xf32, #tpu.memory_space<vmem>>
    %dma_start3A_180 = tpu.memref_squeeze %dma_start3A_179 : memref<1x4x8192xf32, #tpu.memory_space<vmem>> -> memref<4x8192xf32, #tpu.memory_space<vmem>>
    tpu.enqueue_dma source(%dma_start3A_180 : memref<4x8192xf32, #tpu.memory_space<vmem>>) target(%dma_start3A_176 : memref<4x8192xf32, #tpu.memory_space<hbm>>) target_semaphore(%arg12 : memref<!tpu.dma_semaphore, #tpu.memory_space<semaphore_mem>>)
    %scan3A = arith.constant 0 : i32
    %scan3A_181 = arith.constant 1 : i32
    %scan3A_182 = arith.constant 19 : i32
    %scan3A_183 = arith.addi %scan3A_181, %scan3A_182 : i32
    %scan3A_184 = arith.constant 1 : i32
    scf.for %scan3A_405 = %scan3A_181 to %scan3A_183 step %scan3A_184  : i32 {
      %mul3A_406 = arith.constant 3 : i32
      %mul3A_407 = arith.muli %mul3A_406, %scan3A_405 : i32
      %dma_wait3A_408 = arith.constant 2 : i32
      %dma_wait3A_409 = arith.constant 0 : i32
      %dma_wait3A_410 = arith.constant 0 : i32
      %dma_wait3A_411 = tpu.memref_slice %arg6[%dma_wait3A_408, %dma_wait3A_409, %dma_wait3A_410] : memref<3x4x8192xf32, #tpu.memory_space<vmem>> -> memref<1x4x8192xf32, #tpu.memory_space<vmem>>
      %dma_wait3A_412 = tpu.memref_squeeze %dma_wait3A_411 : memref<1x4x8192xf32, #tpu.memory_space<vmem>> -> memref<4x8192xf32, #tpu.memory_space<vmem>>
      %dma_wait3A_413 = arith.constant 0 : i32
      %dma_wait3A_414 = arith.constant 0 : i32
      %dma_wait3A_415 = tpu.memref_slice %arg4[%dma_wait3A_413, %dma_wait3A_414] : memref<8192x8192xf32, #tpu.memory_space<hbm>> -> memref<4x8192xf32, #tpu.memory_space<hbm>>
      %dma_wait3A_416 = arith.constant 0 : i32
      %dma_wait3A_417 = arith.constant 0 : i32
      %dma_wait3A_418 = tpu.memref_slice %arg4[%dma_wait3A_416, %dma_wait3A_417] : memref<8192x8192xf32, #tpu.memory_space<hbm>> -> memref<4x8192xf32, #tpu.memory_space<hbm>>
      %dma_wait3A_419 = arith.constant 0 : i32
      %dma_wait3A_420 = arith.constant 0 : i32
      %dma_wait3A_421 = tpu.memref_slice %arg6[%dma_wait3A_408, %dma_wait3A_419, %dma_wait3A_420] : memref<3x4x8192xf32, #tpu.memory_space<vmem>> -> memref<1x4x8192xf32, #tpu.memory_space<vmem>>
      %dma_wait3A_422 = tpu.memref_squeeze %dma_wait3A_421 : memref<1x4x8192xf32, #tpu.memory_space<vmem>> -> memref<4x8192xf32, #tpu.memory_space<vmem>>
      tpu.wait_dma2 semaphore(%arg12 : memref<!tpu.dma_semaphore, #tpu.memory_space<semaphore_mem>>) src(%dma_wait3A_422 : memref<4x8192xf32, #tpu.memory_space<vmem>>) dst(%dma_wait3A_418 : memref<4x8192xf32, #tpu.memory_space<hbm>>)
      %add3A_423 = arith.constant 2 : i32
      %add3A_424 = arith.addi %mul3A_407, %add3A_423 : i32
      %dma_start3A_425 = arith.constant 2 : i32
      %dma_start3A_426 = arith.constant 0 : i32
      %dma_start3A_427 = arith.constant 0 : i32
      %dma_start3A_428 = tpu.memref_slice %arg6[%dma_start3A_425, %dma_start3A_426, %dma_start3A_427] : memref<3x4x8192xf32, #tpu.memory_space<vmem>> -> memref<1x4x8192xf32, #tpu.memory_space<vmem>>
      %dma_start3A_429 = tpu.memref_squeeze %dma_start3A_428 : memref<1x4x8192xf32, #tpu.memory_space<vmem>> -> memref<4x8192xf32, #tpu.memory_space<vmem>>
      %dma_start3A_430 = arith.constant 0 : i32
      %dma_start3A_431 = tpu.memref_slice %arg5[%add3A_424, %dma_start3A_430] : memref<64x4xi32, #tpu.memory_space<vmem>> -> memref<1x4xi32, #tpu.memory_space<vmem>>
      %dma_start3A_432 = tpu.memref_squeeze %dma_start3A_431 : memref<1x4xi32, #tpu.memory_space<vmem>> -> memref<4xi32, #tpu.memory_space<vmem>>
      %dma_start3A_433 = arith.constant 0 : i32
      %dma_start3A_434 = arith.constant 0 : i32
      %dma_start3A_435 = tpu.memref_slice %arg3[%dma_start3A_433, %dma_start3A_434] : memref<8192x8192xf32, #tpu.memory_space<hbm>> -> memref<8192x8192xf32, #tpu.memory_space<hbm>>
      tpu.enqueue_indirect_dma source(%dma_start3A_435 : memref<8192x8192xf32, #tpu.memory_space<hbm>>) target(%dma_start3A_429 : memref<4x8192xf32, #tpu.memory_space<vmem>>) offsets(%dma_start3A_432 : memref<4xi32, #tpu.memory_space<vmem>>) semaphore(%arg9 : memref<!tpu.dma_semaphore, #tpu.memory_space<semaphore_mem>>)
      %dma_wait3A_436 = arith.constant 0 : i32
      %dma_wait3A_437 = arith.constant 0 : i32
      %dma_wait3A_438 = arith.constant 0 : i32
      %dma_wait3A_439 = tpu.memref_slice %arg6[%dma_wait3A_436, %dma_wait3A_437, %dma_wait3A_438] : memref<3x4x8192xf32, #tpu.memory_space<vmem>> -> memref<1x4x8192xf32, #tpu.memory_space<vmem>>
      %dma_wait3A_440 = tpu.memref_squeeze %dma_wait3A_439 : memref<1x4x8192xf32, #tpu.memory_space<vmem>> -> memref<4x8192xf32, #tpu.memory_space<vmem>>
      %dma_wait3A_441 = arith.constant 0 : i32
      %dma_wait3A_442 = arith.constant 0 : i32
      %dma_wait3A_443 = tpu.memref_slice %arg3[%dma_wait3A_441, %dma_wait3A_442] : memref<8192x8192xf32, #tpu.memory_space<hbm>> -> memref<4x8192xf32, #tpu.memory_space<hbm>>
      %dma_wait3A_444 = arith.constant 0 : i32
      %dma_wait3A_445 = arith.constant 0 : i32
      %dma_wait3A_446 = tpu.memref_slice %arg6[%dma_wait3A_436, %dma_wait3A_444, %dma_wait3A_445] : memref<3x4x8192xf32, #tpu.memory_space<vmem>> -> memref<1x4x8192xf32, #tpu.memory_space<vmem>>
      %dma_wait3A_447 = tpu.memref_squeeze %dma_wait3A_446 : memref<1x4x8192xf32, #tpu.memory_space<vmem>> -> memref<4x8192xf32, #tpu.memory_space<vmem>>
      %dma_wait3A_448 = arith.constant 0 : i32
      %dma_wait3A_449 = arith.constant 0 : i32
      %dma_wait3A_450 = tpu.memref_slice %arg3[%dma_wait3A_448, %dma_wait3A_449] : memref<8192x8192xf32, #tpu.memory_space<hbm>> -> memref<4x8192xf32, #tpu.memory_space<hbm>>
      tpu.wait_dma2 semaphore(%arg7 : memref<!tpu.dma_semaphore, #tpu.memory_space<semaphore_mem>>) src(%dma_wait3A_450 : memref<4x8192xf32, #tpu.memory_space<hbm>>) dst(%dma_wait3A_447 : memref<4x8192xf32, #tpu.memory_space<vmem>>)
      %mul3A_451 = arith.constant 4 : i32
      %mul3A_452 = arith.muli %mul3A_407, %mul3A_451 : i32
      %add3A_453 = arith.addi %mul3A_2, %mul3A_452 : i32
      %dma_start3A_454 = arith.constant 0 : i32
      %dma_start3A_455 = arith.constant 0 : i32
      %dma_start3A_456 = arith.constant 0 : i32
      %dma_start3A_457 = tpu.memref_slice %arg6[%dma_start3A_454, %dma_start3A_455, %dma_start3A_456] : memref<3x4x8192xf32, #tpu.memory_space<vmem>> -> memref<1x4x8192xf32, #tpu.memory_space<vmem>>
      %dma_start3A_458 = tpu.memref_squeeze %dma_start3A_457 : memref<1x4x8192xf32, #tpu.memory_space<vmem>> -> memref<4x8192xf32, #tpu.memory_space<vmem>>
      %dma_start3A_459 = arith.constant 0 : i32
      %dma_start3A_460 = tpu.memref_slice %arg4[%add3A_453, %dma_start3A_459] : memref<8192x8192xf32, #tpu.memory_space<hbm>> -> memref<4x8192xf32, #tpu.memory_space<hbm>>
      %dma_start3A_461 = arith.constant 0 : i32
      %dma_start3A_462 = tpu.memref_slice %arg4[%add3A_453, %dma_start3A_461] : memref<8192x8192xf32, #tpu.memory_space<hbm>> -> memref<4x8192xf32, #tpu.memory_space<hbm>>
      %dma_start3A_463 = arith.constant 0 : i32
      %dma_start3A_464 = arith.constant 0 : i32
      %dma_start3A_465 = tpu.memref_slice %arg6[%dma_start3A_454, %dma_start3A_463, %dma_start3A_464] : memref<3x4x8192xf32, #tpu.memory_space<vmem>> -> memref<1x4x8192xf32, #tpu.memory_space<vmem>>
      %dma_start3A_466 = tpu.memref_squeeze %dma_start3A_465 : memref<1x4x8192xf32, #tpu.memory_space<vmem>> -> memref<4x8192xf32, #tpu.memory_space<vmem>>
      tpu.enqueue_dma source(%dma_start3A_466 : memref<4x8192xf32, #tpu.memory_space<vmem>>) target(%dma_start3A_462 : memref<4x8192xf32, #tpu.memory_space<hbm>>) target_semaphore(%arg10 : memref<!tpu.dma_semaphore, #tpu.memory_space<semaphore_mem>>)
      %mul3A_467 = arith.constant 3 : i32
      %mul3A_468 = arith.muli %mul3A_467, %scan3A_405 : i32
      %add3A_469 = arith.constant 1 : i32
      %add3A_470 = arith.addi %mul3A_468, %add3A_469 : i32
      %dma_wait3A_471 = arith.constant 0 : i32
      %dma_wait3A_472 = arith.constant 0 : i32
      %dma_wait3A_473 = arith.constant 0 : i32
      %dma_wait3A_474 = tpu.memref_slice %arg6[%dma_wait3A_471, %dma_wait3A_472, %dma_wait3A_473] : memref<3x4x8192xf32, #tpu.memory_space<vmem>> -> memref<1x4x8192xf32, #tpu.memory_space<vmem>>
      %dma_wait3A_475 = tpu.memref_squeeze %dma_wait3A_474 : memref<1x4x8192xf32, #tpu.memory_space<vmem>> -> memref<4x8192xf32, #tpu.memory_space<vmem>>
      %dma_wait3A_476 = arith.constant 0 : i32
      %dma_wait3A_477 = arith.constant 0 : i32
      %dma_wait3A_478 = tpu.memref_slice %arg4[%dma_wait3A_476, %dma_wait3A_477] : memref<8192x8192xf32, #tpu.memory_space<hbm>> -> memref<4x8192xf32, #tpu.memory_space<hbm>>
      %dma_wait3A_479 = arith.constant 0 : i32
      %dma_wait3A_480 = arith.constant 0 : i32
      %dma_wait3A_481 = tpu.memref_slice %arg4[%dma_wait3A_479, %dma_wait3A_480] : memref<8192x8192xf32, #tpu.memory_space<hbm>> -> memref<4x8192xf32, #tpu.memory_space<hbm>>
      %dma_wait3A_482 = arith.constant 0 : i32
      %dma_wait3A_483 = arith.constant 0 : i32
      %dma_wait3A_484 = tpu.memref_slice %arg6[%dma_wait3A_471, %dma_wait3A_482, %dma_wait3A_483] : memref<3x4x8192xf32, #tpu.memory_space<vmem>> -> memref<1x4x8192xf32, #tpu.memory_space<vmem>>
      %dma_wait3A_485 = tpu.memref_squeeze %dma_wait3A_484 : memref<1x4x8192xf32, #tpu.memory_space<vmem>> -> memref<4x8192xf32, #tpu.memory_space<vmem>>
      tpu.wait_dma2 semaphore(%arg10 : memref<!tpu.dma_semaphore, #tpu.memory_space<semaphore_mem>>) src(%dma_wait3A_485 : memref<4x8192xf32, #tpu.memory_space<vmem>>) dst(%dma_wait3A_481 : memref<4x8192xf32, #tpu.memory_space<hbm>>)
      %add3A_486 = arith.constant 2 : i32
      %add3A_487 = arith.addi %add3A_470, %add3A_486 : i32
      %dma_start3A_488 = arith.constant 0 : i32
      %dma_start3A_489 = arith.constant 0 : i32
      %dma_start3A_490 = arith.constant 0 : i32
      %dma_start3A_491 = tpu.memref_slice %arg6[%dma_start3A_488, %dma_start3A_489, %dma_start3A_490] : memref<3x4x8192xf32, #tpu.memory_space<vmem>> -> memref<1x4x8192xf32, #tpu.memory_space<vmem>>
      %dma_start3A_492 = tpu.memref_squeeze %dma_start3A_491 : memref<1x4x8192xf32, #tpu.memory_space<vmem>> -> memref<4x8192xf32, #tpu.memory_space<vmem>>
      %dma_start3A_493 = arith.constant 0 : i32
      %dma_start3A_494 = tpu.memref_slice %arg5[%add3A_487, %dma_start3A_493] : memref<64x4xi32, #tpu.memory_space<vmem>> -> memref<1x4xi32, #tpu.memory_space<vmem>>
      %dma_start3A_495 = tpu.memref_squeeze %dma_start3A_494 : memref<1x4xi32, #tpu.memory_space<vmem>> -> memref<4xi32, #tpu.memory_space<vmem>>
      %dma_start3A_496 = arith.constant 0 : i32
      %dma_start3A_497 = arith.constant 0 : i32
      %dma_start3A_498 = tpu.memref_slice %arg3[%dma_start3A_496, %dma_start3A_497] : memref<8192x8192xf32, #tpu.memory_space<hbm>> -> memref<8192x8192xf32, #tpu.memory_space<hbm>>
      tpu.enqueue_indirect_dma source(%dma_start3A_498 : memref<8192x8192xf32, #tpu.memory_space<hbm>>) target(%dma_start3A_492 : memref<4x8192xf32, #tpu.memory_space<vmem>>) offsets(%dma_start3A_495 : memref<4xi32, #tpu.memory_space<vmem>>) semaphore(%arg7 : memref<!tpu.dma_semaphore, #tpu.memory_space<semaphore_mem>>)
      %dma_wait3A_499 = arith.constant 1 : i32
      %dma_wait3A_500 = arith.constant 0 : i32
      %dma_wait3A_501 = arith.constant 0 : i32
      %dma_wait3A_502 = tpu.memref_slice %arg6[%dma_wait3A_499, %dma_wait3A_500, %dma_wait3A_501] : memref<3x4x8192xf32, #tpu.memory_space<vmem>> -> memref<1x4x8192xf32, #tpu.memory_space<vmem>>
      %dma_wait3A_503 = tpu.memref_squeeze %dma_wait3A_502 : memref<1x4x8192xf32, #tpu.memory_space<vmem>> -> memref<4x8192xf32, #tpu.memory_space<vmem>>
      %dma_wait3A_504 = arith.constant 0 : i32
      %dma_wait3A_505 = arith.constant 0 : i32
      %dma_wait3A_506 = tpu.memref_slice %arg3[%dma_wait3A_504, %dma_wait3A_505] : memref<8192x8192xf32, #tpu.memory_space<hbm>> -> memref<4x8192xf32, #tpu.memory_space<hbm>>
      %dma_wait3A_507 = arith.constant 0 : i32
      %dma_wait3A_508 = arith.constant 0 : i32
      %dma_wait3A_509 = tpu.memref_slice %arg6[%dma_wait3A_499, %dma_wait3A_507, %dma_wait3A_508] : memref<3x4x8192xf32, #tpu.memory_space<vmem>> -> memref<1x4x8192xf32, #tpu.memory_space<vmem>>
      %dma_wait3A_510 = tpu.memref_squeeze %dma_wait3A_509 : memref<1x4x8192xf32, #tpu.memory_space<vmem>> -> memref<4x8192xf32, #tpu.memory_space<vmem>>
      %dma_wait3A_511 = arith.constant 0 : i32
      %dma_wait3A_512 = arith.constant 0 : i32
      %dma_wait3A_513 = tpu.memref_slice %arg3[%dma_wait3A_511, %dma_wait3A_512] : memref<8192x8192xf32, #tpu.memory_space<hbm>> -> memref<4x8192xf32, #tpu.memory_space<hbm>>
      tpu.wait_dma2 semaphore(%arg8 : memref<!tpu.dma_semaphore, #tpu.memory_space<semaphore_mem>>) src(%dma_wait3A_513 : memref<4x8192xf32, #tpu.memory_space<hbm>>) dst(%dma_wait3A_510 : memref<4x8192xf32, #tpu.memory_space<vmem>>)
      %mul3A_514 = arith.constant 4 : i32
      %mul3A_515 = arith.muli %add3A_470, %mul3A_514 : i32
      %add3A_516 = arith.addi %mul3A_2, %mul3A_515 : i32
      %dma_start3A_517 = arith.constant 1 : i32
      %dma_start3A_518 = arith.constant 0 : i32
      %dma_start3A_519 = arith.constant 0 : i32
      %dma_start3A_520 = tpu.memref_slice %arg6[%dma_start3A_517, %dma_start3A_518, %dma_start3A_519] : memref<3x4x8192xf32, #tpu.memory_space<vmem>> -> memref<1x4x8192xf32, #tpu.memory_space<vmem>>
      %dma_start3A_521 = tpu.memref_squeeze %dma_start3A_520 : memref<1x4x8192xf32, #tpu.memory_space<vmem>> -> memref<4x8192xf32, #tpu.memory_space<vmem>>
      %dma_start3A_522 = arith.constant 0 : i32
      %dma_start3A_523 = tpu.memref_slice %arg4[%add3A_516, %dma_start3A_522] : memref<8192x8192xf32, #tpu.memory_space<hbm>> -> memref<4x8192xf32, #tpu.memory_space<hbm>>
      %dma_start3A_524 = arith.constant 0 : i32
      %dma_start3A_525 = tpu.memref_slice %arg4[%add3A_516, %dma_start3A_524] : memref<8192x8192xf32, #tpu.memory_space<hbm>> -> memref<4x8192xf32, #tpu.memory_space<hbm>>
      %dma_start3A_526 = arith.constant 0 : i32
      %dma_start3A_527 = arith.constant 0 : i32
      %dma_start3A_528 = tpu.memref_slice %arg6[%dma_start3A_517, %dma_start3A_526, %dma_start3A_527] : memref<3x4x8192xf32, #tpu.memory_space<vmem>> -> memref<1x4x8192xf32, #tpu.memory_space<vmem>>
      %dma_start3A_529 = tpu.memref_squeeze %dma_start3A_528 : memref<1x4x8192xf32, #tpu.memory_space<vmem>> -> memref<4x8192xf32, #tpu.memory_space<vmem>>
      tpu.enqueue_dma source(%dma_start3A_529 : memref<4x8192xf32, #tpu.memory_space<vmem>>) target(%dma_start3A_525 : memref<4x8192xf32, #tpu.memory_space<hbm>>) target_semaphore(%arg11 : memref<!tpu.dma_semaphore, #tpu.memory_space<semaphore_mem>>)
      %mul3A_530 = arith.constant 3 : i32
      %mul3A_531 = arith.muli %mul3A_530, %scan3A_405 : i32
      %add3A_532 = arith.constant 2 : i32
      %add3A_533 = arith.addi %mul3A_531, %add3A_532 : i32
      %dma_wait3A_534 = arith.constant 1 : i32
      %dma_wait3A_535 = arith.constant 0 : i32
      %dma_wait3A_536 = arith.constant 0 : i32
      %dma_wait3A_537 = tpu.memref_slice %arg6[%dma_wait3A_534, %dma_wait3A_535, %dma_wait3A_536] : memref<3x4x8192xf32, #tpu.memory_space<vmem>> -> memref<1x4x8192xf32, #tpu.memory_space<vmem>>
      %dma_wait3A_538 = tpu.memref_squeeze %dma_wait3A_537 : memref<1x4x8192xf32, #tpu.memory_space<vmem>> -> memref<4x8192xf32, #tpu.memory_space<vmem>>
      %dma_wait3A_539 = arith.constant 0 : i32
      %dma_wait3A_540 = arith.constant 0 : i32
      %dma_wait3A_541 = tpu.memref_slice %arg4[%dma_wait3A_539, %dma_wait3A_540] : memref<8192x8192xf32, #tpu.memory_space<hbm>> -> memref<4x8192xf32, #tpu.memory_space<hbm>>
      %dma_wait3A_542 = arith.constant 0 : i32
      %dma_wait3A_543 = arith.constant 0 : i32
      %dma_wait3A_544 = tpu.memref_slice %arg4[%dma_wait3A_542, %dma_wait3A_543] : memref<8192x8192xf32, #tpu.memory_space<hbm>> -> memref<4x8192xf32, #tpu.memory_space<hbm>>
      %dma_wait3A_545 = arith.constant 0 : i32
      %dma_wait3A_546 = arith.constant 0 : i32
      %dma_wait3A_547 = tpu.memref_slice %arg6[%dma_wait3A_534, %dma_wait3A_545, %dma_wait3A_546] : memref<3x4x8192xf32, #tpu.memory_space<vmem>> -> memref<1x4x8192xf32, #tpu.memory_space<vmem>>
      %dma_wait3A_548 = tpu.memref_squeeze %dma_wait3A_547 : memref<1x4x8192xf32, #tpu.memory_space<vmem>> -> memref<4x8192xf32, #tpu.memory_space<vmem>>
      tpu.wait_dma2 semaphore(%arg11 : memref<!tpu.dma_semaphore, #tpu.memory_space<semaphore_mem>>) src(%dma_wait3A_548 : memref<4x8192xf32, #tpu.memory_space<vmem>>) dst(%dma_wait3A_544 : memref<4x8192xf32, #tpu.memory_space<hbm>>)
      %add3A_549 = arith.constant 2 : i32
      %add3A_550 = arith.addi %add3A_533, %add3A_549 : i32
      %dma_start3A_551 = arith.constant 1 : i32
      %dma_start3A_552 = arith.constant 0 : i32
      %dma_start3A_553 = arith.constant 0 : i32
      %dma_start3A_554 = tpu.memref_slice %arg6[%dma_start3A_551, %dma_start3A_552, %dma_start3A_553] : memref<3x4x8192xf32, #tpu.memory_space<vmem>> -> memref<1x4x8192xf32, #tpu.memory_space<vmem>>
      %dma_start3A_555 = tpu.memref_squeeze %dma_start3A_554 : memref<1x4x8192xf32, #tpu.memory_space<vmem>> -> memref<4x8192xf32, #tpu.memory_space<vmem>>
      %dma_start3A_556 = arith.constant 0 : i32
      %dma_start3A_557 = tpu.memref_slice %arg5[%add3A_550, %dma_start3A_556] : memref<64x4xi32, #tpu.memory_space<vmem>> -> memref<1x4xi32, #tpu.memory_space<vmem>>
      %dma_start3A_558 = tpu.memref_squeeze %dma_start3A_557 : memref<1x4xi32, #tpu.memory_space<vmem>> -> memref<4xi32, #tpu.memory_space<vmem>>
      %dma_start3A_559 = arith.constant 0 : i32
      %dma_start3A_560 = arith.constant 0 : i32
      %dma_start3A_561 = tpu.memref_slice %arg3[%dma_start3A_559, %dma_start3A_560] : memref<8192x8192xf32, #tpu.memory_space<hbm>> -> memref<8192x8192xf32, #tpu.memory_space<hbm>>
      tpu.enqueue_indirect_dma source(%dma_start3A_561 : memref<8192x8192xf32, #tpu.memory_space<hbm>>) target(%dma_start3A_555 : memref<4x8192xf32, #tpu.memory_space<vmem>>) offsets(%dma_start3A_558 : memref<4xi32, #tpu.memory_space<vmem>>) semaphore(%arg8 : memref<!tpu.dma_semaphore, #tpu.memory_space<semaphore_mem>>)
      %dma_wait3A_562 = arith.constant 2 : i32
      %dma_wait3A_563 = arith.constant 0 : i32
      %dma_wait3A_564 = arith.constant 0 : i32
      %dma_wait3A_565 = tpu.memref_slice %arg6[%dma_wait3A_562, %dma_wait3A_563, %dma_wait3A_564] : memref<3x4x8192xf32, #tpu.memory_space<vmem>> -> memref<1x4x8192xf32, #tpu.memory_space<vmem>>
      %dma_wait3A_566 = tpu.memref_squeeze %dma_wait3A_565 : memref<1x4x8192xf32, #tpu.memory_space<vmem>> -> memref<4x8192xf32, #tpu.memory_space<vmem>>
      %dma_wait3A_567 = arith.constant 0 : i32
      %dma_wait3A_568 = arith.constant 0 : i32
      %dma_wait3A_569 = tpu.memref_slice %arg3[%dma_wait3A_567, %dma_wait3A_568] : memref<8192x8192xf32, #tpu.memory_space<hbm>> -> memref<4x8192xf32, #tpu.memory_space<hbm>>
      %dma_wait3A_570 = arith.constant 0 : i32
      %dma_wait3A_571 = arith.constant 0 : i32
      %dma_wait3A_572 = tpu.memref_slice %arg6[%dma_wait3A_562, %dma_wait3A_570, %dma_wait3A_571] : memref<3x4x8192xf32, #tpu.memory_space<vmem>> -> memref<1x4x8192xf32, #tpu.memory_space<vmem>>
      %dma_wait3A_573 = tpu.memref_squeeze %dma_wait3A_572 : memref<1x4x8192xf32, #tpu.memory_space<vmem>> -> memref<4x8192xf32, #tpu.memory_space<vmem>>
      %dma_wait3A_574 = arith.constant 0 : i32
      %dma_wait3A_575 = arith.constant 0 : i32
      %dma_wait3A_576 = tpu.memref_slice %arg3[%dma_wait3A_574, %dma_wait3A_575] : memref<8192x8192xf32, #tpu.memory_space<hbm>> -> memref<4x8192xf32, #tpu.memory_space<hbm>>
      tpu.wait_dma2 semaphore(%arg9 : memref<!tpu.dma_semaphore, #tpu.memory_space<semaphore_mem>>) src(%dma_wait3A_576 : memref<4x8192xf32, #tpu.memory_space<hbm>>) dst(%dma_wait3A_573 : memref<4x8192xf32, #tpu.memory_space<vmem>>)
      %mul3A_577 = arith.constant 4 : i32
      %mul3A_578 = arith.muli %add3A_533, %mul3A_577 : i32
      %add3A_579 = arith.addi %mul3A_2, %mul3A_578 : i32
      %dma_start3A_580 = arith.constant 2 : i32
      %dma_start3A_581 = arith.constant 0 : i32
      %dma_start3A_582 = arith.constant 0 : i32
      %dma_start3A_583 = tpu.memref_slice %arg6[%dma_start3A_580, %dma_start3A_581, %dma_start3A_582] : memref<3x4x8192xf32, #tpu.memory_space<vmem>> -> memref<1x4x8192xf32, #tpu.memory_space<vmem>>
      %dma_start3A_584 = tpu.memref_squeeze %dma_start3A_583 : memref<1x4x8192xf32, #tpu.memory_space<vmem>> -> memref<4x8192xf32, #tpu.memory_space<vmem>>
      %dma_start3A_585 = arith.constant 0 : i32
      %dma_start3A_586 = tpu.memref_slice %arg4[%add3A_579, %dma_start3A_585] : memref<8192x8192xf32, #tpu.memory_space<hbm>> -> memref<4x8192xf32, #tpu.memory_space<hbm>>
      %dma_start3A_587 = arith.constant 0 : i32
      %dma_start3A_588 = tpu.memref_slice %arg4[%add3A_579, %dma_start3A_587] : memref<8192x8192xf32, #tpu.memory_space<hbm>> -> memref<4x8192xf32, #tpu.memory_space<hbm>>
      %dma_start3A_589 = arith.constant 0 : i32
      %dma_start3A_590 = arith.constant 0 : i32
      %dma_start3A_591 = tpu.memref_slice %arg6[%dma_start3A_580, %dma_start3A_589, %dma_start3A_590] : memref<3x4x8192xf32, #tpu.memory_space<vmem>> -> memref<1x4x8192xf32, #tpu.memory_space<vmem>>
      %dma_start3A_592 = tpu.memref_squeeze %dma_start3A_591 : memref<1x4x8192xf32, #tpu.memory_space<vmem>> -> memref<4x8192xf32, #tpu.memory_space<vmem>>
      tpu.enqueue_dma source(%dma_start3A_592 : memref<4x8192xf32, #tpu.memory_space<vmem>>) target(%dma_start3A_588 : memref<4x8192xf32, #tpu.memory_space<hbm>>) target_semaphore(%arg12 : memref<!tpu.dma_semaphore, #tpu.memory_space<semaphore_mem>>)
    }
    %scan3A_185 = arith.constant 19 : i32
    %dma_wait3A_186 = arith.constant 2 : i32
    %dma_wait3A_187 = arith.constant 0 : i32
    %dma_wait3A_188 = arith.constant 0 : i32
    %dma_wait3A_189 = tpu.memref_slice %arg6[%dma_wait3A_186, %dma_wait3A_187, %dma_wait3A_188] : memref<3x4x8192xf32, #tpu.memory_space<vmem>> -> memref<1x4x8192xf32, #tpu.memory_space<vmem>>
    %dma_wait3A_190 = tpu.memref_squeeze %dma_wait3A_189 : memref<1x4x8192xf32, #tpu.memory_space<vmem>> -> memref<4x8192xf32, #tpu.memory_space<vmem>>
    %dma_wait3A_191 = arith.constant 0 : i32
    %dma_wait3A_192 = arith.constant 0 : i32
    %dma_wait3A_193 = tpu.memref_slice %arg4[%dma_wait3A_191, %dma_wait3A_192] : memref<8192x8192xf32, #tpu.memory_space<hbm>> -> memref<4x8192xf32, #tpu.memory_space<hbm>>
    %dma_wait3A_194 = arith.constant 0 : i32
    %dma_wait3A_195 = arith.constant 0 : i32
    %dma_wait3A_196 = tpu.memref_slice %arg4[%dma_wait3A_194, %dma_wait3A_195] : memref<8192x8192xf32, #tpu.memory_space<hbm>> -> memref<4x8192xf32, #tpu.memory_space<hbm>>
    %dma_wait3A_197 = arith.constant 0 : i32
    %dma_wait3A_198 = arith.constant 0 : i32
    %dma_wait3A_199 = tpu.memref_slice %arg6[%dma_wait3A_186, %dma_wait3A_197, %dma_wait3A_198] : memref<3x4x8192xf32, #tpu.memory_space<vmem>> -> memref<1x4x8192xf32, #tpu.memory_space<vmem>>
    %dma_wait3A_200 = tpu.memref_squeeze %dma_wait3A_199 : memref<1x4x8192xf32, #tpu.memory_space<vmem>> -> memref<4x8192xf32, #tpu.memory_space<vmem>>
    tpu.wait_dma2 semaphore(%arg12 : memref<!tpu.dma_semaphore, #tpu.memory_space<semaphore_mem>>) src(%dma_wait3A_200 : memref<4x8192xf32, #tpu.memory_space<vmem>>) dst(%dma_wait3A_196 : memref<4x8192xf32, #tpu.memory_space<hbm>>)
    %dma_start3A_201 = arith.constant 62 : i32
    %dma_start3A_202 = arith.constant 2 : i32
    %dma_start3A_203 = arith.constant 0 : i32
    %dma_start3A_204 = arith.constant 0 : i32
    %dma_start3A_205 = tpu.memref_slice %arg6[%dma_start3A_202, %dma_start3A_203, %dma_start3A_204] : memref<3x4x8192xf32, #tpu.memory_space<vmem>> -> memref<1x4x8192xf32, #tpu.memory_space<vmem>>
    %dma_start3A_206 = tpu.memref_squeeze %dma_start3A_205 : memref<1x4x8192xf32, #tpu.memory_space<vmem>> -> memref<4x8192xf32, #tpu.memory_space<vmem>>
    %dma_start3A_207 = arith.constant 0 : i32
    %dma_start3A_208 = tpu.memref_slice %arg5[%dma_start3A_201, %dma_start3A_207] : memref<64x4xi32, #tpu.memory_space<vmem>> -> memref<1x4xi32, #tpu.memory_space<vmem>>
    %dma_start3A_209 = tpu.memref_squeeze %dma_start3A_208 : memref<1x4xi32, #tpu.memory_space<vmem>> -> memref<4xi32, #tpu.memory_space<vmem>>
    %dma_start3A_210 = arith.constant 0 : i32
    %dma_start3A_211 = arith.constant 0 : i32
    %dma_start3A_212 = tpu.memref_slice %arg3[%dma_start3A_210, %dma_start3A_211] : memref<8192x8192xf32, #tpu.memory_space<hbm>> -> memref<8192x8192xf32, #tpu.memory_space<hbm>>
    tpu.enqueue_indirect_dma source(%dma_start3A_212 : memref<8192x8192xf32, #tpu.memory_space<hbm>>) target(%dma_start3A_206 : memref<4x8192xf32, #tpu.memory_space<vmem>>) offsets(%dma_start3A_209 : memref<4xi32, #tpu.memory_space<vmem>>) semaphore(%arg9 : memref<!tpu.dma_semaphore, #tpu.memory_space<semaphore_mem>>)
    %dma_wait3A_213 = arith.constant 0 : i32
    %dma_wait3A_214 = arith.constant 0 : i32
    %dma_wait3A_215 = arith.constant 0 : i32
    %dma_wait3A_216 = tpu.memref_slice %arg6[%dma_wait3A_213, %dma_wait3A_214, %dma_wait3A_215] : memref<3x4x8192xf32, #tpu.memory_space<vmem>> -> memref<1x4x8192xf32, #tpu.memory_space<vmem>>
    %dma_wait3A_217 = tpu.memref_squeeze %dma_wait3A_216 : memref<1x4x8192xf32, #tpu.memory_space<vmem>> -> memref<4x8192xf32, #tpu.memory_space<vmem>>
    %dma_wait3A_218 = arith.constant 0 : i32
    %dma_wait3A_219 = arith.constant 0 : i32
    %dma_wait3A_220 = tpu.memref_slice %arg3[%dma_wait3A_218, %dma_wait3A_219] : memref<8192x8192xf32, #tpu.memory_space<hbm>> -> memref<4x8192xf32, #tpu.memory_space<hbm>>
    %dma_wait3A_221 = arith.constant 0 : i32
    %dma_wait3A_222 = arith.constant 0 : i32
    %dma_wait3A_223 = tpu.memref_slice %arg6[%dma_wait3A_213, %dma_wait3A_221, %dma_wait3A_222] : memref<3x4x8192xf32, #tpu.memory_space<vmem>> -> memref<1x4x8192xf32, #tpu.memory_space<vmem>>
    %dma_wait3A_224 = tpu.memref_squeeze %dma_wait3A_223 : memref<1x4x8192xf32, #tpu.memory_space<vmem>> -> memref<4x8192xf32, #tpu.memory_space<vmem>>
    %dma_wait3A_225 = arith.constant 0 : i32
    %dma_wait3A_226 = arith.constant 0 : i32
    %dma_wait3A_227 = tpu.memref_slice %arg3[%dma_wait3A_225, %dma_wait3A_226] : memref<8192x8192xf32, #tpu.memory_space<hbm>> -> memref<4x8192xf32, #tpu.memory_space<hbm>>
    tpu.wait_dma2 semaphore(%arg7 : memref<!tpu.dma_semaphore, #tpu.memory_space<semaphore_mem>>) src(%dma_wait3A_227 : memref<4x8192xf32, #tpu.memory_space<hbm>>) dst(%dma_wait3A_224 : memref<4x8192xf32, #tpu.memory_space<vmem>>)
    %add3A_228 = arith.constant 240 : i32
    %add3A_229 = arith.addi %mul3A_2, %add3A_228 : i32
    %dma_start3A_230 = arith.constant 0 : i32
    %dma_start3A_231 = arith.constant 0 : i32
    %dma_start3A_232 = arith.constant 0 : i32
    %dma_start3A_233 = tpu.memref_slice %arg6[%dma_start3A_230, %dma_start3A_231, %dma_start3A_232] : memref<3x4x8192xf32, #tpu.memory_space<vmem>> -> memref<1x4x8192xf32, #tpu.memory_space<vmem>>
    %dma_start3A_234 = tpu.memref_squeeze %dma_start3A_233 : memref<1x4x8192xf32, #tpu.memory_space<vmem>> -> memref<4x8192xf32, #tpu.memory_space<vmem>>
    %dma_start3A_235 = arith.constant 0 : i32
    %dma_start3A_236 = tpu.memref_slice %arg4[%add3A_229, %dma_start3A_235] : memref<8192x8192xf32, #tpu.memory_space<hbm>> -> memref<4x8192xf32, #tpu.memory_space<hbm>>
    %dma_start3A_237 = arith.constant 0 : i32
    %dma_start3A_238 = tpu.memref_slice %arg4[%add3A_229, %dma_start3A_237] : memref<8192x8192xf32, #tpu.memory_space<hbm>> -> memref<4x8192xf32, #tpu.memory_space<hbm>>
    %dma_start3A_239 = arith.constant 0 : i32
    %dma_start3A_240 = arith.constant 0 : i32
    %dma_start3A_241 = tpu.memref_slice %arg6[%dma_start3A_230, %dma_start3A_239, %dma_start3A_240] : memref<3x4x8192xf32, #tpu.memory_space<vmem>> -> memref<1x4x8192xf32, #tpu.memory_space<vmem>>
    %dma_start3A_242 = tpu.memref_squeeze %dma_start3A_241 : memref<1x4x8192xf32, #tpu.memory_space<vmem>> -> memref<4x8192xf32, #tpu.memory_space<vmem>>
    tpu.enqueue_dma source(%dma_start3A_242 : memref<4x8192xf32, #tpu.memory_space<vmem>>) target(%dma_start3A_238 : memref<4x8192xf32, #tpu.memory_space<hbm>>) target_semaphore(%arg10 : memref<!tpu.dma_semaphore, #tpu.memory_space<semaphore_mem>>)
    %dma_wait3A_243 = arith.constant 0 : i32
    %dma_wait3A_244 = arith.constant 0 : i32
    %dma_wait3A_245 = arith.constant 0 : i32
    %dma_wait3A_246 = tpu.memref_slice %arg6[%dma_wait3A_243, %dma_wait3A_244, %dma_wait3A_245] : memref<3x4x8192xf32, #tpu.memory_space<vmem>> -> memref<1x4x8192xf32, #tpu.memory_space<vmem>>
    %dma_wait3A_247 = tpu.memref_squeeze %dma_wait3A_246 : memref<1x4x8192xf32, #tpu.memory_space<vmem>> -> memref<4x8192xf32, #tpu.memory_space<vmem>>
    %dma_wait3A_248 = arith.constant 0 : i32
    %dma_wait3A_249 = arith.constant 0 : i32
    %dma_wait3A_250 = tpu.memref_slice %arg4[%dma_wait3A_248, %dma_wait3A_249] : memref<8192x8192xf32, #tpu.memory_space<hbm>> -> memref<4x8192xf32, #tpu.memory_space<hbm>>
    %dma_wait3A_251 = arith.constant 0 : i32
    %dma_wait3A_252 = arith.constant 0 : i32
    %dma_wait3A_253 = tpu.memref_slice %arg4[%dma_wait3A_251, %dma_wait3A_252] : memref<8192x8192xf32, #tpu.memory_space<hbm>> -> memref<4x8192xf32, #tpu.memory_space<hbm>>
    %dma_wait3A_254 = arith.constant 0 : i32
    %dma_wait3A_255 = arith.constant 0 : i32
    %dma_wait3A_256 = tpu.memref_slice %arg6[%dma_wait3A_243, %dma_wait3A_254, %dma_wait3A_255] : memref<3x4x8192xf32, #tpu.memory_space<vmem>> -> memref<1x4x8192xf32, #tpu.memory_space<vmem>>
    %dma_wait3A_257 = tpu.memref_squeeze %dma_wait3A_256 : memref<1x4x8192xf32, #tpu.memory_space<vmem>> -> memref<4x8192xf32, #tpu.memory_space<vmem>>
    tpu.wait_dma2 semaphore(%arg10 : memref<!tpu.dma_semaphore, #tpu.memory_space<semaphore_mem>>) src(%dma_wait3A_257 : memref<4x8192xf32, #tpu.memory_space<vmem>>) dst(%dma_wait3A_253 : memref<4x8192xf32, #tpu.memory_space<hbm>>)
    %dma_start3A_258 = arith.constant 63 : i32
    %dma_start3A_259 = arith.constant 0 : i32
    %dma_start3A_260 = arith.constant 0 : i32
    %dma_start3A_261 = arith.constant 0 : i32
    %dma_start3A_262 = tpu.memref_slice %arg6[%dma_start3A_259, %dma_start3A_260, %dma_start3A_261] : memref<3x4x8192xf32, #tpu.memory_space<vmem>> -> memref<1x4x8192xf32, #tpu.memory_space<vmem>>
    %dma_start3A_263 = tpu.memref_squeeze %dma_start3A_262 : memref<1x4x8192xf32, #tpu.memory_space<vmem>> -> memref<4x8192xf32, #tpu.memory_space<vmem>>
    %dma_start3A_264 = arith.constant 0 : i32
    %dma_start3A_265 = tpu.memref_slice %arg5[%dma_start3A_258, %dma_start3A_264] : memref<64x4xi32, #tpu.memory_space<vmem>> -> memref<1x4xi32, #tpu.memory_space<vmem>>
    %dma_start3A_266 = tpu.memref_squeeze %dma_start3A_265 : memref<1x4xi32, #tpu.memory_space<vmem>> -> memref<4xi32, #tpu.memory_space<vmem>>
    %dma_start3A_267 = arith.constant 0 : i32
    %dma_start3A_268 = arith.constant 0 : i32
    %dma_start3A_269 = tpu.memref_slice %arg3[%dma_start3A_267, %dma_start3A_268] : memref<8192x8192xf32, #tpu.memory_space<hbm>> -> memref<8192x8192xf32, #tpu.memory_space<hbm>>
    tpu.enqueue_indirect_dma source(%dma_start3A_269 : memref<8192x8192xf32, #tpu.memory_space<hbm>>) target(%dma_start3A_263 : memref<4x8192xf32, #tpu.memory_space<vmem>>) offsets(%dma_start3A_266 : memref<4xi32, #tpu.memory_space<vmem>>) semaphore(%arg7 : memref<!tpu.dma_semaphore, #tpu.memory_space<semaphore_mem>>)
    %dma_wait3A_270 = arith.constant 1 : i32
    %dma_wait3A_271 = arith.constant 0 : i32
    %dma_wait3A_272 = arith.constant 0 : i32
    %dma_wait3A_273 = tpu.memref_slice %arg6[%dma_wait3A_270, %dma_wait3A_271, %dma_wait3A_272] : memref<3x4x8192xf32, #tpu.memory_space<vmem>> -> memref<1x4x8192xf32, #tpu.memory_space<vmem>>
    %dma_wait3A_274 = tpu.memref_squeeze %dma_wait3A_273 : memref<1x4x8192xf32, #tpu.memory_space<vmem>> -> memref<4x8192xf32, #tpu.memory_space<vmem>>
    %dma_wait3A_275 = arith.constant 0 : i32
    %dma_wait3A_276 = arith.constant 0 : i32
    %dma_wait3A_277 = tpu.memref_slice %arg3[%dma_wait3A_275, %dma_wait3A_276] : memref<8192x8192xf32, #tpu.memory_space<hbm>> -> memref<4x8192xf32, #tpu.memory_space<hbm>>
    %dma_wait3A_278 = arith.constant 0 : i32
    %dma_wait3A_279 = arith.constant 0 : i32
    %dma_wait3A_280 = tpu.memref_slice %arg6[%dma_wait3A_270, %dma_wait3A_278, %dma_wait3A_279] : memref<3x4x8192xf32, #tpu.memory_space<vmem>> -> memref<1x4x8192xf32, #tpu.memory_space<vmem>>
    %dma_wait3A_281 = tpu.memref_squeeze %dma_wait3A_280 : memref<1x4x8192xf32, #tpu.memory_space<vmem>> -> memref<4x8192xf32, #tpu.memory_space<vmem>>
    %dma_wait3A_282 = arith.constant 0 : i32
    %dma_wait3A_283 = arith.constant 0 : i32
    %dma_wait3A_284 = tpu.memref_slice %arg3[%dma_wait3A_282, %dma_wait3A_283] : memref<8192x8192xf32, #tpu.memory_space<hbm>> -> memref<4x8192xf32, #tpu.memory_space<hbm>>
    tpu.wait_dma2 semaphore(%arg8 : memref<!tpu.dma_semaphore, #tpu.memory_space<semaphore_mem>>) src(%dma_wait3A_284 : memref<4x8192xf32, #tpu.memory_space<hbm>>) dst(%dma_wait3A_281 : memref<4x8192xf32, #tpu.memory_space<vmem>>)
    %add3A_285 = arith.constant 244 : i32
    %add3A_286 = arith.addi %mul3A_2, %add3A_285 : i32
    %dma_start3A_287 = arith.constant 1 : i32
    %dma_start3A_288 = arith.constant 0 : i32
    %dma_start3A_289 = arith.constant 0 : i32
    %dma_start3A_290 = tpu.memref_slice %arg6[%dma_start3A_287, %dma_start3A_288, %dma_start3A_289] : memref<3x4x8192xf32, #tpu.memory_space<vmem>> -> memref<1x4x8192xf32, #tpu.memory_space<vmem>>
    %dma_start3A_291 = tpu.memref_squeeze %dma_start3A_290 : memref<1x4x8192xf32, #tpu.memory_space<vmem>> -> memref<4x8192xf32, #tpu.memory_space<vmem>>
    %dma_start3A_292 = arith.constant 0 : i32
    %dma_start3A_293 = tpu.memref_slice %arg4[%add3A_286, %dma_start3A_292] : memref<8192x8192xf32, #tpu.memory_space<hbm>> -> memref<4x8192xf32, #tpu.memory_space<hbm>>
    %dma_start3A_294 = arith.constant 0 : i32
    %dma_start3A_295 = tpu.memref_slice %arg4[%add3A_286, %dma_start3A_294] : memref<8192x8192xf32, #tpu.memory_space<hbm>> -> memref<4x8192xf32, #tpu.memory_space<hbm>>
    %dma_start3A_296 = arith.constant 0 : i32
    %dma_start3A_297 = arith.constant 0 : i32
    %dma_start3A_298 = tpu.memref_slice %arg6[%dma_start3A_287, %dma_start3A_296, %dma_start3A_297] : memref<3x4x8192xf32, #tpu.memory_space<vmem>> -> memref<1x4x8192xf32, #tpu.memory_space<vmem>>
    %dma_start3A_299 = tpu.memref_squeeze %dma_start3A_298 : memref<1x4x8192xf32, #tpu.memory_space<vmem>> -> memref<4x8192xf32, #tpu.memory_space<vmem>>
    tpu.enqueue_dma source(%dma_start3A_299 : memref<4x8192xf32, #tpu.memory_space<vmem>>) target(%dma_start3A_295 : memref<4x8192xf32, #tpu.memory_space<hbm>>) target_semaphore(%arg11 : memref<!tpu.dma_semaphore, #tpu.memory_space<semaphore_mem>>)
    %dma_wait3A_300 = arith.constant 1 : i32
    %dma_wait3A_301 = arith.constant 0 : i32
    %dma_wait3A_302 = arith.constant 0 : i32
    %dma_wait3A_303 = tpu.memref_slice %arg6[%dma_wait3A_300, %dma_wait3A_301, %dma_wait3A_302] : memref<3x4x8192xf32, #tpu.memory_space<vmem>> -> memref<1x4x8192xf32, #tpu.memory_space<vmem>>
    %dma_wait3A_304 = tpu.memref_squeeze %dma_wait3A_303 : memref<1x4x8192xf32, #tpu.memory_space<vmem>> -> memref<4x8192xf32, #tpu.memory_space<vmem>>
    %dma_wait3A_305 = arith.constant 0 : i32
    %dma_wait3A_306 = arith.constant 0 : i32
    %dma_wait3A_307 = tpu.memref_slice %arg4[%dma_wait3A_305, %dma_wait3A_306] : memref<8192x8192xf32, #tpu.memory_space<hbm>> -> memref<4x8192xf32, #tpu.memory_space<hbm>>
    %dma_wait3A_308 = arith.constant 0 : i32
    %dma_wait3A_309 = arith.constant 0 : i32
    %dma_wait3A_310 = tpu.memref_slice %arg4[%dma_wait3A_308, %dma_wait3A_309] : memref<8192x8192xf32, #tpu.memory_space<hbm>> -> memref<4x8192xf32, #tpu.memory_space<hbm>>
    %dma_wait3A_311 = arith.constant 0 : i32
    %dma_wait3A_312 = arith.constant 0 : i32
    %dma_wait3A_313 = tpu.memref_slice %arg6[%dma_wait3A_300, %dma_wait3A_311, %dma_wait3A_312] : memref<3x4x8192xf32, #tpu.memory_space<vmem>> -> memref<1x4x8192xf32, #tpu.memory_space<vmem>>
    %dma_wait3A_314 = tpu.memref_squeeze %dma_wait3A_313 : memref<1x4x8192xf32, #tpu.memory_space<vmem>> -> memref<4x8192xf32, #tpu.memory_space<vmem>>
    tpu.wait_dma2 semaphore(%arg11 : memref<!tpu.dma_semaphore, #tpu.memory_space<semaphore_mem>>) src(%dma_wait3A_314 : memref<4x8192xf32, #tpu.memory_space<vmem>>) dst(%dma_wait3A_310 : memref<4x8192xf32, #tpu.memory_space<hbm>>)
    %dma_wait3A_315 = arith.constant 2 : i32
    %dma_wait3A_316 = arith.constant 0 : i32
    %dma_wait3A_317 = arith.constant 0 : i32
    %dma_wait3A_318 = tpu.memref_slice %arg6[%dma_wait3A_315, %dma_wait3A_316, %dma_wait3A_317] : memref<3x4x8192xf32, #tpu.memory_space<vmem>> -> memref<1x4x8192xf32, #tpu.memory_space<vmem>>
    %dma_wait3A_319 = tpu.memref_squeeze %dma_wait3A_318 : memref<1x4x8192xf32, #tpu.memory_space<vmem>> -> memref<4x8192xf32, #tpu.memory_space<vmem>>
    %dma_wait3A_320 = arith.constant 0 : i32
    %dma_wait3A_321 = arith.constant 0 : i32
    %dma_wait3A_322 = tpu.memref_slice %arg3[%dma_wait3A_320, %dma_wait3A_321] : memref<8192x8192xf32, #tpu.memory_space<hbm>> -> memref<4x8192xf32, #tpu.memory_space<hbm>>
    %dma_wait3A_323 = arith.constant 0 : i32
    %dma_wait3A_324 = arith.constant 0 : i32
    %dma_wait3A_325 = tpu.memref_slice %arg6[%dma_wait3A_315, %dma_wait3A_323, %dma_wait3A_324] : memref<3x4x8192xf32, #tpu.memory_space<vmem>> -> memref<1x4x8192xf32, #tpu.memory_space<vmem>>
    %dma_wait3A_326 = tpu.memref_squeeze %dma_wait3A_325 : memref<1x4x8192xf32, #tpu.memory_space<vmem>> -> memref<4x8192xf32, #tpu.memory_space<vmem>>
    %dma_wait3A_327 = arith.constant 0 : i32
    %dma_wait3A_328 = arith.constant 0 : i32
    %dma_wait3A_329 = tpu.memref_slice %arg3[%dma_wait3A_327, %dma_wait3A_328] : memref<8192x8192xf32, #tpu.memory_space<hbm>> -> memref<4x8192xf32, #tpu.memory_space<hbm>>
    tpu.wait_dma2 semaphore(%arg9 : memref<!tpu.dma_semaphore, #tpu.memory_space<semaphore_mem>>) src(%dma_wait3A_329 : memref<4x8192xf32, #tpu.memory_space<hbm>>) dst(%dma_wait3A_326 : memref<4x8192xf32, #tpu.memory_space<vmem>>)
    %add3A_330 = arith.constant 248 : i32
    %add3A_331 = arith.addi %mul3A_2, %add3A_330 : i32
    %dma_start3A_332 = arith.constant 2 : i32
    %dma_start3A_333 = arith.constant 0 : i32
    %dma_start3A_334 = arith.constant 0 : i32
    %dma_start3A_335 = tpu.memref_slice %arg6[%dma_start3A_332, %dma_start3A_333, %dma_start3A_334] : memref<3x4x8192xf32, #tpu.memory_space<vmem>> -> memref<1x4x8192xf32, #tpu.memory_space<vmem>>
    %dma_start3A_336 = tpu.memref_squeeze %dma_start3A_335 : memref<1x4x8192xf32, #tpu.memory_space<vmem>> -> memref<4x8192xf32, #tpu.memory_space<vmem>>
    %dma_start3A_337 = arith.constant 0 : i32
    %dma_start3A_338 = tpu.memref_slice %arg4[%add3A_331, %dma_start3A_337] : memref<8192x8192xf32, #tpu.memory_space<hbm>> -> memref<4x8192xf32, #tpu.memory_space<hbm>>
    %dma_start3A_339 = arith.constant 0 : i32
    %dma_start3A_340 = tpu.memref_slice %arg4[%add3A_331, %dma_start3A_339] : memref<8192x8192xf32, #tpu.memory_space<hbm>> -> memref<4x8192xf32, #tpu.memory_space<hbm>>
    %dma_start3A_341 = arith.constant 0 : i32
    %dma_start3A_342 = arith.constant 0 : i32
    %dma_start3A_343 = tpu.memref_slice %arg6[%dma_start3A_332, %dma_start3A_341, %dma_start3A_342] : memref<3x4x8192xf32, #tpu.memory_space<vmem>> -> memref<1x4x8192xf32, #tpu.memory_space<vmem>>
    %dma_start3A_344 = tpu.memref_squeeze %dma_start3A_343 : memref<1x4x8192xf32, #tpu.memory_space<vmem>> -> memref<4x8192xf32, #tpu.memory_space<vmem>>
    tpu.enqueue_dma source(%dma_start3A_344 : memref<4x8192xf32, #tpu.memory_space<vmem>>) target(%dma_start3A_340 : memref<4x8192xf32, #tpu.memory_space<hbm>>) target_semaphore(%arg12 : memref<!tpu.dma_semaphore, #tpu.memory_space<semaphore_mem>>)
    %dma_wait3A_345 = arith.constant 0 : i32
    %dma_wait3A_346 = arith.constant 0 : i32
    %dma_wait3A_347 = arith.constant 0 : i32
    %dma_wait3A_348 = tpu.memref_slice %arg6[%dma_wait3A_345, %dma_wait3A_346, %dma_wait3A_347] : memref<3x4x8192xf32, #tpu.memory_space<vmem>> -> memref<1x4x8192xf32, #tpu.memory_space<vmem>>
    %dma_wait3A_349 = tpu.memref_squeeze %dma_wait3A_348 : memref<1x4x8192xf32, #tpu.memory_space<vmem>> -> memref<4x8192xf32, #tpu.memory_space<vmem>>
    %dma_wait3A_350 = arith.constant 0 : i32
    %dma_wait3A_351 = arith.constant 0 : i32
    %dma_wait3A_352 = tpu.memref_slice %arg3[%dma_wait3A_350, %dma_wait3A_351] : memref<8192x8192xf32, #tpu.memory_space<hbm>> -> memref<4x8192xf32, #tpu.memory_space<hbm>>
    %dma_wait3A_353 = arith.constant 0 : i32
    %dma_wait3A_354 = arith.constant 0 : i32
    %dma_wait3A_355 = tpu.memref_slice %arg6[%dma_wait3A_345, %dma_wait3A_353, %dma_wait3A_354] : memref<3x4x8192xf32, #tpu.memory_space<vmem>> -> memref<1x4x8192xf32, #tpu.memory_space<vmem>>
    %dma_wait3A_356 = tpu.memref_squeeze %dma_wait3A_355 : memref<1x4x8192xf32, #tpu.memory_space<vmem>> -> memref<4x8192xf32, #tpu.memory_space<vmem>>
    %dma_wait3A_357 = arith.constant 0 : i32
    %dma_wait3A_358 = arith.constant 0 : i32
    %dma_wait3A_359 = tpu.memref_slice %arg3[%dma_wait3A_357, %dma_wait3A_358] : memref<8192x8192xf32, #tpu.memory_space<hbm>> -> memref<4x8192xf32, #tpu.memory_space<hbm>>
    tpu.wait_dma2 semaphore(%arg7 : memref<!tpu.dma_semaphore, #tpu.memory_space<semaphore_mem>>) src(%dma_wait3A_359 : memref<4x8192xf32, #tpu.memory_space<hbm>>) dst(%dma_wait3A_356 : memref<4x8192xf32, #tpu.memory_space<vmem>>)
    %add3A_360 = arith.constant 252 : i32
    %add3A_361 = arith.addi %mul3A_2, %add3A_360 : i32
    %dma_start3A_362 = arith.constant 0 : i32
    %dma_start3A_363 = arith.constant 0 : i32
    %dma_start3A_364 = arith.constant 0 : i32
    %dma_start3A_365 = tpu.memref_slice %arg6[%dma_start3A_362, %dma_start3A_363, %dma_start3A_364] : memref<3x4x8192xf32, #tpu.memory_space<vmem>> -> memref<1x4x8192xf32, #tpu.memory_space<vmem>>
    %dma_start3A_366 = tpu.memref_squeeze %dma_start3A_365 : memref<1x4x8192xf32, #tpu.memory_space<vmem>> -> memref<4x8192xf32, #tpu.memory_space<vmem>>
    %dma_start3A_367 = arith.constant 0 : i32
    %dma_start3A_368 = tpu.memref_slice %arg4[%add3A_361, %dma_start3A_367] : memref<8192x8192xf32, #tpu.memory_space<hbm>> -> memref<4x8192xf32, #tpu.memory_space<hbm>>
    %dma_start3A_369 = arith.constant 0 : i32
    %dma_start3A_370 = tpu.memref_slice %arg4[%add3A_361, %dma_start3A_369] : memref<8192x8192xf32, #tpu.memory_space<hbm>> -> memref<4x8192xf32, #tpu.memory_space<hbm>>
    %dma_start3A_371 = arith.constant 0 : i32
    %dma_start3A_372 = arith.constant 0 : i32
    %dma_start3A_373 = tpu.memref_slice %arg6[%dma_start3A_362, %dma_start3A_371, %dma_start3A_372] : memref<3x4x8192xf32, #tpu.memory_space<vmem>> -> memref<1x4x8192xf32, #tpu.memory_space<vmem>>
    %dma_start3A_374 = tpu.memref_squeeze %dma_start3A_373 : memref<1x4x8192xf32, #tpu.memory_space<vmem>> -> memref<4x8192xf32, #tpu.memory_space<vmem>>
    tpu.enqueue_dma source(%dma_start3A_374 : memref<4x8192xf32, #tpu.memory_space<vmem>>) target(%dma_start3A_370 : memref<4x8192xf32, #tpu.memory_space<hbm>>) target_semaphore(%arg10 : memref<!tpu.dma_semaphore, #tpu.memory_space<semaphore_mem>>)
    %dma_wait3A_375 = arith.constant 2 : i32
    %dma_wait3A_376 = arith.constant 0 : i32
    %dma_wait3A_377 = arith.constant 0 : i32
    %dma_wait3A_378 = tpu.memref_slice %arg6[%dma_wait3A_375, %dma_wait3A_376, %dma_wait3A_377] : memref<3x4x8192xf32, #tpu.memory_space<vmem>> -> memref<1x4x8192xf32, #tpu.memory_space<vmem>>
    %dma_wait3A_379 = tpu.memref_squeeze %dma_wait3A_378 : memref<1x4x8192xf32, #tpu.memory_space<vmem>> -> memref<4x8192xf32, #tpu.memory_space<vmem>>
    %dma_wait3A_380 = arith.constant 0 : i32
    %dma_wait3A_381 = arith.constant 0 : i32
    %dma_wait3A_382 = tpu.memref_slice %arg4[%dma_wait3A_380, %dma_wait3A_381] : memref<8192x8192xf32, #tpu.memory_space<hbm>> -> memref<4x8192xf32, #tpu.memory_space<hbm>>
    %dma_wait3A_383 = arith.constant 0 : i32
    %dma_wait3A_384 = arith.constant 0 : i32
    %dma_wait3A_385 = tpu.memref_slice %arg4[%dma_wait3A_383, %dma_wait3A_384] : memref<8192x8192xf32, #tpu.memory_space<hbm>> -> memref<4x8192xf32, #tpu.memory_space<hbm>>
    %dma_wait3A_386 = arith.constant 0 : i32
    %dma_wait3A_387 = arith.constant 0 : i32
    %dma_wait3A_388 = tpu.memref_slice %arg6[%dma_wait3A_375, %dma_wait3A_386, %dma_wait3A_387] : memref<3x4x8192xf32, #tpu.memory_space<vmem>> -> memref<1x4x8192xf32, #tpu.memory_space<vmem>>
    %dma_wait3A_389 = tpu.memref_squeeze %dma_wait3A_388 : memref<1x4x8192xf32, #tpu.memory_space<vmem>> -> memref<4x8192xf32, #tpu.memory_space<vmem>>
    tpu.wait_dma2 semaphore(%arg12 : memref<!tpu.dma_semaphore, #tpu.memory_space<semaphore_mem>>) src(%dma_wait3A_389 : memref<4x8192xf32, #tpu.memory_space<vmem>>) dst(%dma_wait3A_385 : memref<4x8192xf32, #tpu.memory_space<hbm>>)
    %dma_wait3A_390 = arith.constant 0 : i32
    %dma_wait3A_391 = arith.constant 0 : i32
    %dma_wait3A_392 = arith.constant 0 : i32
    %dma_wait3A_393 = tpu.memref_slice %arg6[%dma_wait3A_390, %dma_wait3A_391, %dma_wait3A_392] : memref<3x4x8192xf32, #tpu.memory_space<vmem>> -> memref<1x4x8192xf32, #tpu.memory_space<vmem>>
    %dma_wait3A_394 = tpu.memref_squeeze %dma_wait3A_393 : memref<1x4x8192xf32, #tpu.memory_space<vmem>> -> memref<4x8192xf32, #tpu.memory_space<vmem>>
    %dma_wait3A_395 = arith.constant 0 : i32
    %dma_wait3A_396 = arith.constant 0 : i32
    %dma_wait3A_397 = tpu.memref_slice %arg4[%dma_wait3A_395, %dma_wait3A_396] : memref<8192x8192xf32, #tpu.memory_space<hbm>> -> memref<4x8192xf32, #tpu.memory_space<hbm>>
    %dma_wait3A_398 = arith.constant 0 : i32
    %dma_wait3A_399 = arith.constant 0 : i32
    %dma_wait3A_400 = tpu.memref_slice %arg4[%dma_wait3A_398, %dma_wait3A_399] : memref<8192x8192xf32, #tpu.memory_space<hbm>> -> memref<4x8192xf32, #tpu.memory_space<hbm>>
    %dma_wait3A_401 = arith.constant 0 : i32
    %dma_wait3A_402 = arith.constant 0 : i32
    %dma_wait3A_403 = tpu.memref_slice %arg6[%dma_wait3A_390, %dma_wait3A_401, %dma_wait3A_402] : memref<3x4x8192xf32, #tpu.memory_space<vmem>> -> memref<1x4x8192xf32, #tpu.memory_space<vmem>>
    %dma_wait3A_404 = tpu.memref_squeeze %dma_wait3A_403 : memref<1x4x8192xf32, #tpu.memory_space<vmem>> -> memref<4x8192xf32, #tpu.memory_space<vmem>>
    tpu.wait_dma2 semaphore(%arg10 : memref<!tpu.dma_semaphore, #tpu.memory_space<semaphore_mem>>) src(%dma_wait3A_404 : memref<4x8192xf32, #tpu.memory_space<vmem>>) dst(%dma_wait3A_400 : memref<4x8192xf32, #tpu.memory_space<hbm>>)
    return
  }
}

</mosaic_0001>

<sc_bundles>
// kernel: kernel.3.cloned.1.call-start
scs
__scs_entry_jumppad:
0x0: {  	(pc) =	sbr.rel $0x88, $3  }
0x1: {  	(tag) =	ssettag $0x0;
	lr =	simm.s32 $0x1  }
0x2: {  	[smem:$0x3F9F] =	sst lr;
	_ =	strace $0xD0000000  }
0x3: {  	_ = 	snop  }
0x4: {  	_ = 	snop  }
0x5: {  	_ = 	snop  }
0x6: {  	_ = 	snop  }
0x7: {  	_ = 	snop  }
__scs_overlays_trampoline_lowered:
0x8: {  	[smem:$0x3FAE] =	sst s0  }
0x9: {  	[smem:$0x3FAF] =	sst s1  }
0xa: {  	[smem:$0x3FB0] =	sst s2  }
0xb: {  	[smem:$0x3FB1] =	sst s3  }
0xc: {  	[smem:$0x3FB2] =	sst s4  }
0xd: {  	[smem:$0x3FB3] =	sst s5  }
0xe: {  	[smem:$0x3FB4] =	sst s6  }
0xf: {  	[smem:$0x3FB5] =	sst s7  }
0x10: {  	[smem:$0x3FB6] =	sst s8  }
0x11: {  	[smem:$0x3FB7] =	sst s9;
	s0 =	simm.s32 @!p0 $0x0  }
0x12: {  	s1 =	sld [smem:$0x3F9D];
	s0 =	simm.s32 @p0 $0x1  }
0x13: {  	[smem:$0x3FB8] =	sst s0;
	s0 =	simm.s32 @!p1 $0x0  }
0x14: {  	s2 =	sld [smem:$0x3F9C];
	s0 =	simm.s32 @p1 $0x1  }
0x15: {  	[smem:$0x3FB9] =	sst s0;
	s0 =	simm.s32 @!p2 $0x0  }
0x16: {  	s3 =	sld [smem:$0x3FDB];
	s0 =	simm.s32 @p2 $0x1  }
0x17: {  	s4 =	simm.s32 $0x1BF5;
	[smem:$0x3FBB] =	sst s0  }
0x18: {  	s0 =	sld [smem:$0x3F9E];
	_ =	swait.ge [sflag:s4], $0x0  }
0x19: {  	s7 =	sld [smem:$0x3F9F]  }
0x1a: {  	s8 =	sadd.s32 $0xFFFFE003, lr  }
0x1b: {  	s9 =	sadd.s32 $0xFFFFFEF7, lr;
	s5 =	simm.s32 $0xFFFFFFFF;
	p2 =	slt.u32 s8, $0xFFFFF086  }
0x1c: {  	p1 =	slt.u32 s9, $0xF7A;
	s5 =	simm.s32 @!p2 $0x0  }
0x1d: {  	s5 =	simm.s32 @p1 $0x1;
	p0 =	seq.s32 s7, s2  }
0x1e: {  	s7 =	smul.u32 @!p0 $0xF7A, s2;
	p2 =	seq.s32 @!p0 s5, $0x0  }
0x1f: {  	s9 =	smul.u32 $0xF7A, s1;
	s8 =	simm.s32 @!p0 $0x1BF5;
	p2 =	por !p2, p0  }
0x20: {  	[sflag:s8] =	ssyncset.s32 @!p0 $0xFFFFF086;
	s6 =	sadd.s32 @!p0 s3, s7;
	s7 =	simm.s32 @!p0 $0x108  }
0x21: {  	s3 =	sadd.s32 s3, s9;
	s6 =	sadd.s32 @!p0 $0x88, s6;
	s7 =	simm.s32 @p2 $0x1082  }
0x22: {  	[simem:s7], [sflag:s8] =	dma.local @!p0 [hbm:s6], $0xF7A  }
0x23: {  	s9 =	sor.u32 $0xD0000000, s2;
	s6 =	simm.s32 $0x108;
	_ =	swait.ge @!p0 [sflag:s8], $0x0  }
0x24: {  	s3 =	sadd.s32 $0x88, s3;
	s6 =	simm.s32 @!p1 $0x1082;
	[sflag:s4] =	ssyncset.s32 $0xFFFFF086  }
0x25: {  	[simem:s6], [sflag:s4] =	dma.local [hbm:s3], $0xF7A  }
0x26: {  	[smem:$0x3F9F] =	sst s1;
	(tag) =	ssettag s2;
	_ =	strace s9  }
0x27: {  	s1 =	sld [smem:$0x3FAF]  }
0x28: {  	s2 =	sld [smem:$0x3FB0]  }
0x29: {  	s4 =	sld [smem:$0x3FB2]  }
0x2a: {  	p0 =	seq.s32 s5, $0x0;
	s5 =	sld [smem:$0x3FB3]  }
0x2b: {  	s6 =	sld [smem:$0x3FB4]  }
0x2c: {  	s7 =	sld [smem:$0x3FB5]  }
0x2d: {  	s3 =	simm.s32 $0x108;
	s8 =	sld [smem:$0x3FB6]  }
0x2e: {  	s3 =	simm.s32 @!p0 $0x1082;
	s9 =	sld [smem:$0x3FB7]  }
0x2f: {  	lr =	sadd.s32 s0, s3;
	s0 =	sld [smem:$0x3FAE]  }
0x30: {  	s3 =	sld [smem:$0x3FB1]  }
0x31: {  	[smem:$0x3FBA] =	sst s10  }
0x32: {  	s10 =	sld [smem:$0x3FB8];
	_ =	sdelay $0x3  }
0x33: {  	p0 =	seq.s32 s10, $0x1;
	s10 =	sld [smem:$0x3FBA];
	_ =	sdelay $0x3  }
0x34: {  	[smem:$0x3FBA] =	sst s10  }
0x35: {  	s10 =	sld [smem:$0x3FB9];
	_ =	sdelay $0x3  }
0x36: {  	p1 =	seq.s32 s10, $0x1;
	s10 =	sld [smem:$0x3FBA];
	_ =	sdelay $0x3  }
0x37: {  	[smem:$0x3FBA] =	sst s10  }
0x38: {  	s10 =	sld [smem:$0x3FBB]  }
0x39: {  	_ = 	snop;
	(pc) =	sbr.ind lr, $3  }
0x3a: {  	_ = 	snop  }
0x3b: {  	_ = 	snop  }
0x3c: {  	p2 =	seq.s32 s10, $0x1;
	s10 =	sld [smem:$0x3FBA]  }
0x3d: {  	_ =	shalt  }
0x3e: {  	_ =	shalt  }
0x3f: {  	_ =	shalt  }
0x40: {  	_ =	shalt  }
0x41: {  	_ =	shalt  }
0x42: {  	_ =	shalt  }
0x43: {  	_ =	shalt  }
0x44: {  	_ =	shalt  }
0x45: {  	_ =	shalt  }
0x46: {  	_ =	shalt  }
0x47: {  	_ =	shalt  }
0x48: {  	_ =	shalt  }
0x49: {  	_ =	shalt  }
0x4a: {  	_ =	shalt  }
0x4b: {  	_ =	shalt  }
0x4c: {  	_ =	shalt  }
0x4d: {  	_ =	shalt  }
0x4e: {  	_ =	shalt  }
0x4f: {  	_ =	shalt  }
0x50: {  	_ =	shalt  }
0x51: {  	_ =	shalt  }
0x52: {  	_ =	shalt  }
0x53: {  	_ =	shalt  }
0x54: {  	_ =	shalt  }
0x55: {  	_ =	shalt  }
0x56: {  	_ =	shalt  }
0x57: {  	_ =	shalt  }
0x58: {  	_ =	shalt  }
0x59: {  	_ =	shalt  }
0x5a: {  	_ =	shalt  }
0x5b: {  	_ =	shalt  }
0x5c: {  	_ =	shalt  }
0x5d: {  	_ =	shalt  }
0x5e: {  	_ =	shalt  }
0x5f: {  	_ =	shalt  }
0x60: {  	_ =	shalt  }
0x61: {  	_ =	shalt  }
0x62: {  	_ =	shalt  }
0x63: {  	_ =	shalt  }
0x64: {  	_ =	shalt  }
0x65: {  	_ =	shalt  }
0x66: {  	_ =	shalt  }
0x67: {  	_ =	shalt  }
0x68: {  	_ =	shalt  }
0x69: {  	_ =	shalt  }
0x6a: {  	_ =	shalt  }
0x6b: {  	_ =	shalt  }
0x6c: {  	_ =	shalt  }
0x6d: {  	_ =	shalt  }
0x6e: {  	_ =	shalt  }
0x6f: {  	_ =	shalt  }
0x70: {  	_ =	shalt  }
0x71: {  	_ =	shalt  }
0x72: {  	_ =	shalt  }
0x73: {  	_ =	shalt  }
0x74: {  	_ =	shalt  }
0x75: {  	_ =	shalt  }
0x76: {  	_ =	shalt  }
0x77: {  	_ =	shalt  }
0x78: {  	_ =	shalt  }
0x79: {  	_ =	shalt  }
0x7a: {  	_ =	shalt  }
0x7b: {  	_ =	shalt  }
0x7c: {  	_ =	shalt  }
0x7d: {  	_ =	shalt  }
0x7e: {  	_ =	shalt  }
0x7f: {  	_ =	shalt  }
0x80: {  	_ =	shalt  }
0x81: {  	_ =	shalt  }
0x82: {  	_ =	shalt  }
0x83: {  	_ =	shalt  }
0x84: {  	_ =	shalt  }
0x85: {  	_ =	shalt  }
0x86: {  	_ =	shalt  }
0x87: {  	_ =	shalt  }
.Lfunc_end0:
.L_simem_size_0:
called_computation_lowered:
.L_overlay_start_0:
0x88: {  	s2 =	sld [smem:$0x3FD9]  }
0x89: {  	s3 =	sld [smem:$0x3FFE];
	_ =	sdelay $0x1  }
0x8a: {  	s1 =	srdreg.scid  }
0x8b: {  	s0 =	sand.u32 $0x1, s1  }
0x8c: {  	s17 =	sshll.u32 s0, $0xA;
	s2 =	sadd.s32 s3, s2  }
0x8d: {  	s2 =	sadd.s32 s2, s17  }
0x8e: {  	[smem:$0x3FC6] =	sst s2  }
0x8f: {  	_ = 	snop  }
0x90: {  	s2 =	sld [smem:$0x3FC8]  }
0x91: {  	s18 =	sld [smem:$0x3FD0];
	(tm) =	ssettm $0x1  }
0x92: {  	s4 =	sld [smem:$0x3FFB];
	_ =	sdelay $0x3  }
0x93: {  	_ =	strace s4  }
0x94: {  	s4 =	sld [smem:$0x3FFC];
	_ =	sdelay $0x3  }
0x95: {  	_ =	strace s4  }
0x96: {  	s4 =	sld [smem:$0x3FFD];
	_ =	sdelay $0x3  }
0x97: {  	_ =	strace s4  }
0x98: {  	_ =	strace $0x8FFFFFFF  }
0x99: {  	s19 =	sld [smem:$0x3FDB];
	_ =	sdelay $0x1  }
0x9a: {  	s5 =	simm.s32 $_scs_section_size  }
0x9b: {  	s6 =	simm.s32 $_size__tile_overlayer_lowered;
	s7 =	simm.s32 $_tile_overlayer_lowered  }
0x9c: {  	s22 =	simm.s32 $0x1BFF;
	s21 =	sshll.u32 s7, $0x1;
	s4 =	sadd.s32 s5, s19  }
0x9d: {  	s8 =	simm.s32 $0x0;
	s20 =	sshll.u32 s6, $0x1;
	s6 =	sadd.s32 s21, s4  }
0x9e: {  	[timem:s8], [sflag:s22] =	dma.local [hbm:s6], s20  }
0x9f: {  	_ =	swait.ge [sflag:s22], s20  }
0xa0: {  	s5 =	ssub.s32 $0x0, s20;
	[sflag:s22] =	ssyncset.done $0x0  }
0xa1: {  	[sflag:s22] =	ssyncadd.s32 s5;
	_ =	sdelay $0x1  }
0xa2: {  	s23 =	simm.s32 $0x1B8B  }
0xa3: {  	_ =	swait.ge [sflag:s23], $0x1  }
0xa4: {  	[sflag:s23] =	ssyncset.done $0x0  }
0xa5: {  	s25 =	simm.s32 $0x1B8E;
	s24 =	sld [smem:$0x3FFE];
	[sflag:s23] =	ssyncadd.s32 $0xFFFFFFFF  }
0xa6: {  	s26 =	simm.s32 $execute0_lowered;
	[smem:$0x3FD2] =	sst s25  }
0xa7: {  	s6 =	sshll.u32 s26, $0x1;
	_ =	strace $0x80000046;
	[dreg:$0x1] =	wrdreg $0xFFFFFFFF  }
0xa8: {  	s28 =	simm.s32 $_size_execute0_lowered;
	s4 =	sadd.s32 s4, s6;
	[dreg:$0x0] =	wrdreg $0x0  }
0xa9: {  	s6 =	sshll.u32 s28, $0x1;
	[dreg:$0x2] =	wrdreg s4  }
0xaa: {  	[dreg:$0x3] =	wrdreg s6  }
0xab: {  	[dreg:$0x4] =	wrdreg $0xC0  }
0xac: {  	_ =	task [dreg:s8], $0x5FFFF  }
0xad: {  	[dreg:$0x1] =	wrdreg $0xFFFFFFFF  }
0xae: {  	[dreg:$0x0] =	wrdreg $0x60  }
0xaf: {  	[dreg:$0x2] =	wrdreg s24  }
0xb0: {  	[dreg:$0x3] =	wrdreg s2  }
0xb1: {  	[dreg:$0x4] =	wrdreg s18  }
0xb2: {  	[dreg:$0x5] =	wrdreg $0x9  }
0xb3: {  	_ =	task.clear_ibuf [dreg:s8], $0x6FFFF;
	_ =	strace $0x90000046  }
0xb4: {  	s29 =	simm.s32 $0x9;
	_ =	strace $0x80000048  }
0xb5: {  	_ =	swait.ge [sflag:s29], $0x1  }
0xb6: {  	[sflag:s29] =	ssyncadd.s32 $0xFFFFFFFF  }
0xb7: {  	_ =	strace $0x90000048  }
0xb8: {  	_ =	sfence  }
0xb9: {  	s30 =	sld [smem:$0x0];
	_ =	sdelay $0x2  }
0xba: {  	s31 =	sshll.u32 s1, $0xD;
	s1 =	sshrl.u32 s1, $0x2  }
0xbb: {  	s3 =	sand.u32 $0x4000, s31;
	s1 =	sadd.s32 s1, s30  }
0xbc: {  	s0 =	sor.u32 s3, s0;
	s1 =	sshll.u32 s1, $0x11  }
0xbd: {  	s0 =	sor.u32 s1, s0  }
0xbe: {  	s0 =	sadd.s32 $0x8F2B, s0  }
0xbf: {  	[sflag:s0] =	ssyncadd.remote.s32 $0x1  }
0xc0: {  	_ =	sfence.sel $0xFFFF  }
0xc1: {  	[dreg:$0x0] =	wrdreg $0xFFFFFFFF;
	(pc) =	sbr.abs _section_cstart, $3  }
0xc2: {  	[dreg:$0x1] =	wrdreg $0xFFFFFFFF  }
0xc3: {  	_ =	task.clear_ibuf [dreg:s8], $0x2FFFF;
	_ =	strace $0x9FFFFFFF  }
0xc4: {  	(tm) =	ssettm $0x7FFFFFFF  }
0xc5: {  	_ =	shalt  }
tec
execute0_lowered:
.L_overlay_start_1:
0x0: {  	(tag) =	ssettag $0x1  }
0x1: {  	s0 =	rddreg [dreg:$0x0]  }
0x2: {  	s20 =	rddreg [dreg:$0x1]  }
0x3: {  	s21 =	rddreg [dreg:$0x2];
	s1 =	srdreg.scid  }
0x4: {  	s2 =	stileid.u32;
	s4 =	simm.s32 $0x0;
	s1 =	sand.u32 $0x1, s1  }
0x5: {  	s3 =	sshll.u32 s2, $0x1;
	[smem:$0x7FF] =	sst s4;
	s8 =	sadd.s32 $0x600, s20  }
0x6: {  	s9 =	sadd.s32 $0x800, s20;
	s10 =	sadd.s32 $0xA00, s20;
	s11 =	sadd.s32 $0xC00, s20  }
0x7: {  	s12 =	sadd.s32 $0xE00, s20;
	s13 =	sadd.s32 $0x1000, s20;
	s14 =	sadd.s32 $0x1200, s20  }
0x8: {  	s15 =	sadd.s32 $0x1400, s20;
	s16 =	sadd.s32 $0x1600, s20;
	s17 =	sadd.s32 $0x1800, s20  }
0x9: {  	s18 =	sadd.s32 $0x1A00, s20;
	s2 =	sshll.u32 s2, $0x13;
	s3 =	sor.u32 s1, s3  }
0xa: {  	s5 =	ssub.s32 $0x2, s1;
	_ =	strace $0x80000047;
	s1 =	sshll.u32 s1, $0x12  }
0xb: {  	s6 =	sshll.u32 s3, $0xA;
	s31 =	sshll.u32 s3, $0x12;
	s23 =	sor.u32 s1, s2  }
0xc: {  	s0 =	sadd.s32 s6, s0;
	s22 =	sadd.s32 s21, s31;
	[dreg:$0x4] =	wrdreg s23  }
0xd: {  	s19 =	sadd.s32 $0x1C00, s20;
	s0 =	sadd.s32 $0x400, s0;
	[dreg:$0x6] =	wrdreg s22  }
0xe: {  	s7 =	sshrl.u32 s5, $0x1;
	s24 =	sadd.s32 $0x40, s22;
	[dreg:$0x5] =	wrdreg s0  }
0xf: {  	s3 =	simm.s32 $0xB000;
	s25 =	sadd.s32 $0x2000, s22;
	[dreg:$0x7] =	wrdreg s24  }
0x10: {  	s5 =	ssub.s32 s5, s7;
	s26 =	sadd.s32 $0x3C000, s22;
	[dreg:$0x8] =	wrdreg s25  }
0x11: {  	s1 =	simm.s32 $0x0;
	s28 =	smax.u32 s5, $0x1;
	[dreg:$0x9] =	wrdreg s26  }
0x12: {  	s6 =	sadd.s32 $0x200, s20;
	s29 =	sadd.s32 $0x3C040, s22;
	[dreg:$0xa] =	wrdreg s28  }
0x13: {  	v0 =	vlaneseq.u32;
	s7 =	sadd.s32 $0x400, s20;
	s30 =	sadd.s32 $0x3E000, s22;
	[dreg:$0xb] =	wrdreg s29  }
0x14: {  	v1 =	vshrl.u32 v0, $0x2;
	s20 =	sadd.s32 $0x1E00, s20;
	s31 =	sadd.s32 $0x3E040, s22;
	[dreg:$0xc] =	wrdreg s30  }
0x15: {  	vm0 =	vmmov $0xffff;
	v0 =	vand.u32 $0x3, v0;
	v1 =	vmul.u32 $0x8, v1;
	[dreg:$0xd] =	wrdreg s31;
	s0 =	simm.s32 $0xA800;
	s26 =	simm.s32 $0x6  }
.LBB2_1:
0x16: {  	[dreg:$0xe] =	wrdreg s1  }
0x17: {  	s2 =	rddreg [dreg:$0x5];
	s25 =	simm.s32 $0x7  }
0x18: {  	[tilespmem:s4], [sflag:$0x7] =	stream.linear.gather [hbm4b:s2+s4], $0x2000, $0x38;
	[tilespmem:$0x1A000] =	vst v63  }
0x19: {  	_ =	swait.ge [sflag:s25], $0x2000  }
0x1a: {  	[sflag:s25] =	ssyncset.done $0x0  }
0x1b: {  	[sflag:s25] =	ssyncadd.s32 $0xFFFFE000  }
0x1c: {  	v2 =	vld.msk [tilespmem:$0x0], $0xf;
	_ =	sdelay $0x4  }
0x1d: {  	v3 =	vshll.u32 v2, $0x6  }
0x1e: {  	v2 =	vand.u32 $0x7, v2;
	v3 =	vand.u32 $0xFFFFFE00, v3  }
0x1f: {  	v2 =	vor.u32 v2, v3  }
0x20: {  	v2 =	vperm.xlane v2, v0;
	_ =	sdelay $0x1  }
0x21: {  	v2 =	vadd.s32 v1, v2;
	_ =	sdelay $0x3  }
0x22: {  	s5 =	simm.s32 $0x2000;
	s2 =	rddreg [dreg:$0x1]  }
0x23: {  	[tilespmem:s5], [sflag:$0x1] =	stream.indirect_vreg.gather [hbm4b:s2+s4], $0x80, v2, vm0, $0xb8;
	[tilespmem:$0x1A000] =	vst v63  }
0x24: {  	s28 =	simm.s32 $0x2800  }
0x25: {  	[tilespmem:s28], [sflag:$0x1] =	stream.indirect_vreg.gather [hbm4b:s6+s4], $0x80, v2, vm0, $0xb8;
	[tilespmem:$0x1A000] =	vst v63  }
0x26: {  	s22 =	simm.s32 $0x3000  }
0x27: {  	[tilespmem:s22], [sflag:$0x1] =	stream.indirect_vreg.gather [hbm4b:s7+s4], $0x80, v2, vm0, $0xb8;
	[tilespmem:$0x1A000] =	vst v63  }
0x28: {  	s23 =	simm.s32 $0x3800  }
0x29: {  	[tilespmem:s23], [sflag:$0x1] =	stream.indirect_vreg.gather [hbm4b:s8+s4], $0x80, v2, vm0, $0xb8;
	[tilespmem:$0x1A000] =	vst v63  }
0x2a: {  	s24 =	simm.s32 $0x4000  }
0x2b: {  	[tilespmem:s24], [sflag:$0x1] =	stream.indirect_vreg.gather [hbm4b:s9+s4], $0x80, v2, vm0, $0xb8;
	[tilespmem:$0x1A000] =	vst v63  }
0x2c: {  	s25 =	simm.s32 $0x4800  }
0x2d: {  	[tilespmem:s25], [sflag:$0x1] =	stream.indirect_vreg.gather [hbm4b:s10+s4], $0x80, v2, vm0, $0xb8;
	[tilespmem:$0x1A000] =	vst v63  }
0x2e: {  	s30 =	simm.s32 $0x5000  }
0x2f: {  	[tilespmem:s30], [sflag:$0x1] =	stream.indirect_vreg.gather [hbm4b:s11+s4], $0x80, v2, vm0, $0xb8;
	[tilespmem:$0x1A000] =	vst v63  }
0x30: {  	s31 =	simm.s32 $0x5800  }
0x31: {  	[tilespmem:s31], [sflag:$0x1] =	stream.indirect_vreg.gather [hbm4b:s12+s4], $0x80, v2, vm0, $0xb8;
	[tilespmem:$0x1A000] =	vst v63  }
0x32: {  	s29 =	simm.s32 $0x6000  }
0x33: {  	[tilespmem:s29], [sflag:$0x1] =	stream.indirect_vreg.gather [hbm4b:s13+s4], $0x80, v2, vm0, $0xb8;
	[tilespmem:$0x1A000] =	vst v63  }
0x34: {  	s21 =	simm.s32 $0x6800  }
0x35: {  	[tilespmem:s21], [sflag:$0x1] =	stream.indirect_vreg.gather [hbm4b:s14+s4], $0x80, v2, vm0, $0xb8;
	[tilespmem:$0x1A000] =	vst v63  }
0x36: {  	s28 =	simm.s32 $0x7000  }
0x37: {  	[tilespmem:s28], [sflag:$0x1] =	stream.indirect_vreg.gather [hbm4b:s15+s4], $0x80, v2, vm0, $0xb8;
	[tilespmem:$0x1A000] =	vst v63  }
0x38: {  	s29 =	simm.s32 $0x7800  }
0x39: {  	[tilespmem:s29], [sflag:$0x1] =	stream.indirect_vreg.gather [hbm4b:s16+s4], $0x80, v2, vm0, $0xb8;
	[tilespmem:$0x1A000] =	vst v63  }
0x3a: {  	s21 =	simm.s32 $0x8000  }
0x3b: {  	[tilespmem:s21], [sflag:$0x1] =	stream.indirect_vreg.gather [hbm4b:s17+s4], $0x80, v2, vm0, $0xb8;
	[tilespmem:$0x1A000] =	vst v63  }
0x3c: {  	s28 =	simm.s32 $0x8800  }
0x3d: {  	[tilespmem:s28], [sflag:$0x1] =	stream.indirect_vreg.gather [hbm4b:s18+s4], $0x80, v2, vm0, $0xb8;
	[tilespmem:$0x1A000] =	vst v63  }
0x3e: {  	s29 =	simm.s32 $0x9000  }
0x3f: {  	[tilespmem:s29], [sflag:$0x1] =	stream.indirect_vreg.gather [hbm4b:s19+s4], $0x80, v2, vm0, $0xb8;
	[tilespmem:$0x1A000] =	vst v63  }
0x40: {  	s21 =	simm.s32 $0x9800  }
0x41: {  	[tilespmem:s21], [sflag:$0x1] =	stream.indirect_vreg.gather [hbm4b:s20+s4], $0x80, v2, vm0, $0xb8;
	[tilespmem:$0x1A000] =	vst v63  }
0x42: {  	v2 =	vld.msk [tilespmem:$0x80], $0xf;
	_ =	sdelay $0x4  }
0x43: {  	v3 =	vshll.u32 v2, $0x6  }
0x44: {  	v2 =	vand.u32 $0x7, v2;
	v3 =	vand.u32 $0xFFFFFE00, v3  }
0x45: {  	v2 =	vor.u32 v2, v3  }
0x46: {  	v2 =	vperm.xlane v2, v0;
	_ =	sdelay $0x1  }
0x47: {  	v2 =	vadd.s32 v1, v2;
	_ =	sdelay $0x3  }
0x48: {  	s21 =	simm.s32 $0xA000  }
0x49: {  	[tilespmem:s21], [sflag:$0x2] =	stream.indirect_vreg.gather [hbm4b:s2+s4], $0x80, v2, vm0, $0xb8;
	[tilespmem:$0x1A000] =	vst v63  }
0x4a: {  	_ = 	snop  }
0x4b: {  	[tilespmem:s0], [sflag:$0x2] =	stream.indirect_vreg.gather [hbm4b:s6+s4], $0x80, v2, vm0, $0xb8;
	[tilespmem:$0x1A000] =	vst v63  }
0x4c: {  	_ = 	snop  }
0x4d: {  	[tilespmem:s3], [sflag:$0x2] =	stream.indirect_vreg.gather [hbm4b:s7+s4], $0x80, v2, vm0, $0xb8;
	[tilespmem:$0x1A000] =	vst v63  }
0x4e: {  	s28 =	simm.s32 $0xB800  }
0x4f: {  	[tilespmem:s28], [sflag:$0x2] =	stream.indirect_vreg.gather [hbm4b:s8+s4], $0x80, v2, vm0, $0xb8;
	[tilespmem:$0x1A000] =	vst v63  }
0x50: {  	s29 =	simm.s32 $0xC000  }
0x51: {  	[tilespmem:s29], [sflag:$0x2] =	stream.indirect_vreg.gather [hbm4b:s9+s4], $0x80, v2, vm0, $0xb8;
	[tilespmem:$0x1A000] =	vst v63  }
0x52: {  	s3 =	simm.s32 $0xC800  }
0x53: {  	[tilespmem:s3], [sflag:$0x2] =	stream.indirect_vreg.gather [hbm4b:s10+s4], $0x80, v2, vm0, $0xb8;
	[tilespmem:$0x1A000] =	vst v63  }
0x54: {  	s28 =	simm.s32 $0xD000  }
0x55: {  	[tilespmem:s28], [sflag:$0x2] =	stream.indirect_vreg.gather [hbm4b:s11+s4], $0x80, v2, vm0, $0xb8;
	[tilespmem:$0x1A000] =	vst v63  }
0x56: {  	s29 =	simm.s32 $0xD800  }
0x57: {  	[tilespmem:s29], [sflag:$0x2] =	stream.indirect_vreg.gather [hbm4b:s12+s4], $0x80, v2, vm0, $0xb8;
	[tilespmem:$0x1A000] =	vst v63  }
0x58: {  	s3 =	simm.s32 $0xE000  }
0x59: {  	[tilespmem:s3], [sflag:$0x2] =	stream.indirect_vreg.gather [hbm4b:s13+s4], $0x80, v2, vm0, $0xb8;
	[tilespmem:$0x1A000] =	vst v63  }
0x5a: {  	s28 =	simm.s32 $0xE800  }
0x5b: {  	[tilespmem:s28], [sflag:$0x2] =	stream.indirect_vreg.gather [hbm4b:s14+s4], $0x80, v2, vm0, $0xb8;
	[tilespmem:$0x1A000] =	vst v63  }
0x5c: {  	s29 =	simm.s32 $0xF000  }
0x5d: {  	[tilespmem:s29], [sflag:$0x2] =	stream.indirect_vreg.gather [hbm4b:s15+s4], $0x80, v2, vm0, $0xb8;
	[tilespmem:$0x1A000] =	vst v63  }
0x5e: {  	s3 =	simm.s32 $0xF800  }
0x5f: {  	[tilespmem:s3], [sflag:$0x2] =	stream.indirect_vreg.gather [hbm4b:s16+s4], $0x80, v2, vm0, $0xb8;
	[tilespmem:$0x1A000] =	vst v63  }
0x60: {  	s28 =	simm.s32 $0x10000  }
0x61: {  	[tilespmem:s28], [sflag:$0x2] =	stream.indirect_vreg.gather [hbm4b:s17+s4], $0x80, v2, vm0, $0xb8;
	[tilespmem:$0x1A000] =	vst v63  }
0x62: {  	s29 =	simm.s32 $0x10800  }
0x63: {  	[tilespmem:s29], [sflag:$0x2] =	stream.indirect_vreg.gather [hbm4b:s18+s4], $0x80, v2, vm0, $0xb8;
	[tilespmem:$0x1A000] =	vst v63  }
0x64: {  	s3 =	simm.s32 $0x11000  }
0x65: {  	[tilespmem:s3], [sflag:$0x2] =	stream.indirect_vreg.gather [hbm4b:s19+s4], $0x80, v2, vm0, $0xb8;
	[tilespmem:$0x1A000] =	vst v63  }
0x66: {  	s28 =	simm.s32 $0x11800  }
0x67: {  	[tilespmem:s28], [sflag:$0x2] =	stream.indirect_vreg.gather [hbm4b:s20+s4], $0x80, v2, vm0, $0xb8;
	[tilespmem:$0x1A000] =	vst v63  }
0x68: {  	v2 =	vld.msk [tilespmem:$0x100], $0xf;
	_ =	sdelay $0x4  }
0x69: {  	v3 =	vshll.u32 v2, $0x6  }
0x6a: {  	v2 =	vand.u32 $0x7, v2;
	v3 =	vand.u32 $0xFFFFFE00, v3  }
0x6b: {  	v2 =	vor.u32 v2, v3  }
0x6c: {  	v2 =	vperm.xlane v2, v0;
	_ =	sdelay $0x1  }
0x6d: {  	v2 =	vadd.s32 v1, v2;
	_ =	sdelay $0x3  }
0x6e: {  	s29 =	simm.s32 $0x12000  }
0x6f: {  	[tilespmem:s29], [sflag:$0x3] =	stream.indirect_vreg.gather [hbm4b:s2+s4], $0x80, v2, vm0, $0xb8;
	[tilespmem:$0x1A000] =	vst v63  }
0x70: {  	s1 =	simm.s32 $0x12800  }
0x71: {  	[tilespmem:s1], [sflag:$0x3] =	stream.indirect_vreg.gather [hbm4b:s6+s4], $0x80, v2, vm0, $0xb8;
	[tilespmem:$0x1A000] =	vst v63  }
0x72: {  	s28 =	simm.s32 $0x13000  }
0x73: {  	[tilespmem:s28], [sflag:$0x3] =	stream.indirect_vreg.gather [hbm4b:s7+s4], $0x80, v2, vm0, $0xb8;
	[tilespmem:$0x1A000] =	vst v63  }
0x74: {  	s29 =	simm.s32 $0x13800  }
0x75: {  	[tilespmem:s29], [sflag:$0x3] =	stream.indirect_vreg.gather [hbm4b:s8+s4], $0x80, v2, vm0, $0xb8;
	[tilespmem:$0x1A000] =	vst v63  }
0x76: {  	s1 =	simm.s32 $0x14000  }
0x77: {  	[tilespmem:s1], [sflag:$0x3] =	stream.indirect_vreg.gather [hbm4b:s9+s4], $0x80, v2, vm0, $0xb8;
	[tilespmem:$0x1A000] =	vst v63  }
0x78: {  	s28 =	simm.s32 $0x14800  }
0x79: {  	[tilespmem:s28], [sflag:$0x3] =	stream.indirect_vreg.gather [hbm4b:s10+s4], $0x80, v2, vm0, $0xb8;
	[tilespmem:$0x1A000] =	vst v63  }
0x7a: {  	s29 =	simm.s32 $0x15000  }
0x7b: {  	[tilespmem:s29], [sflag:$0x3] =	stream.indirect_vreg.gather [hbm4b:s11+s4], $0x80, v2, vm0, $0xb8;
	[tilespmem:$0x1A000] =	vst v63  }
0x7c: {  	s1 =	simm.s32 $0x15800  }
0x7d: {  	[tilespmem:s1], [sflag:$0x3] =	stream.indirect_vreg.gather [hbm4b:s12+s4], $0x80, v2, vm0, $0xb8;
	[tilespmem:$0x1A000] =	vst v63  }
0x7e: {  	s28 =	simm.s32 $0x16000  }
0x7f: {  	[tilespmem:s28], [sflag:$0x3] =	stream.indirect_vreg.gather [hbm4b:s13+s4], $0x80, v2, vm0, $0xb8;
	[tilespmem:$0x1A000] =	vst v63  }
0x80: {  	s29 =	simm.s32 $0x16800  }
0x81: {  	[tilespmem:s29], [sflag:$0x3] =	stream.indirect_vreg.gather [hbm4b:s14+s4], $0x80, v2, vm0, $0xb8;
	[tilespmem:$0x1A000] =	vst v63  }
0x82: {  	s1 =	simm.s32 $0x17000  }
0x83: {  	[tilespmem:s1], [sflag:$0x3] =	stream.indirect_vreg.gather [hbm4b:s15+s4], $0x80, v2, vm0, $0xb8;
	[tilespmem:$0x1A000] =	vst v63  }
0x84: {  	s28 =	simm.s32 $0x17800  }
0x85: {  	[tilespmem:s28], [sflag:$0x3] =	stream.indirect_vreg.gather [hbm4b:s16+s4], $0x80, v2, vm0, $0xb8;
	[tilespmem:$0x1A000] =	vst v63  }
0x86: {  	s29 =	simm.s32 $0x18000  }
0x87: {  	[tilespmem:s29], [sflag:$0x3] =	stream.indirect_vreg.gather [hbm4b:s17+s4], $0x80, v2, vm0, $0xb8;
	[tilespmem:$0x1A000] =	vst v63  }
0x88: {  	s1 =	simm.s32 $0x18800  }
0x89: {  	[tilespmem:s1], [sflag:$0x3] =	stream.indirect_vreg.gather [hbm4b:s18+s4], $0x80, v2, vm0, $0xb8;
	[tilespmem:$0x1A000] =	vst v63  }
0x8a: {  	s28 =	simm.s32 $0x19000  }
0x8b: {  	[tilespmem:s28], [sflag:$0x3] =	stream.indirect_vreg.gather [hbm4b:s19+s4], $0x80, v2, vm0, $0xb8;
	[tilespmem:$0x1A000] =	vst v63  }
0x8c: {  	s29 =	simm.s32 $0x19800;
	s1 =	simm.s32 $0x1  }
0x8d: {  	[tilespmem:s29], [sflag:$0x3] =	stream.indirect_vreg.gather [hbm4b:s20+s4], $0x80, v2, vm0, $0xb8;
	[tilespmem:$0x1A000] =	vst v63  }
0x8e: {  	_ =	swait.ge [sflag:s1], $0x8000  }
0x8f: {  	s29 =	simm.s32 $0x200;
	[sflag:s1] =	ssyncset.done $0x0  }
0x90: {  	s3 =	rddreg [dreg:$0x6];
	[sflag:s1] =	ssyncadd.s32 $0xFFFF8000;
	s1 =	simm.s32 $0x400  }
0x91: {  	[hbm4b:s3+s29] =	stream.strided.scatter [tilespmem:s5], [sflag:$0x4], $0x8000, s1, s29, $0x38;
	[tilespmem:$0x1A000] =	vst v63  }
0x92: {  	s3 =	simm.s32 $0x4  }
0x93: {  	_ =	swait.ge [sflag:s3], $0x8000  }
0x94: {  	[sflag:s3] =	ssyncset.done $0x0  }
0x95: {  	[sflag:s3] =	ssyncadd.s32 $0xFFFF8000  }
0x96: {  	v2 =	vld.msk [tilespmem:$0x180], $0xf;
	_ =	sdelay $0x4  }
0x97: {  	v3 =	vshll.u32 v2, $0x6  }
0x98: {  	v2 =	vand.u32 $0x7, v2;
	v3 =	vand.u32 $0xFFFFFE00, v3  }
0x99: {  	v2 =	vor.u32 v2, v3  }
0x9a: {  	v2 =	vperm.xlane v2, v0;
	_ =	sdelay $0x1  }
0x9b: {  	v2 =	vadd.s32 v1, v2;
	_ =	sdelay $0x4  }
0x9c: {  	[tilespmem:s5], [sflag:$0x1] =	stream.indirect_vreg.gather [hbm4b:s2+s4], $0x80, v2, vm0, $0xb8;
	[tilespmem:$0x1A000] =	vst v63  }
0x9d: {  	s5 =	simm.s32 $0x2800  }
0x9e: {  	[tilespmem:s5], [sflag:$0x1] =	stream.indirect_vreg.gather [hbm4b:s6+s4], $0x80, v2, vm0, $0xb8;
	[tilespmem:$0x1A000] =	vst v63  }
0x9f: {  	_ = 	snop  }
0xa0: {  	[tilespmem:s22], [sflag:$0x1] =	stream.indirect_vreg.gather [hbm4b:s7+s4], $0x80, v2, vm0, $0xb8;
	[tilespmem:$0x1A000] =	vst v63  }
0xa1: {  	_ = 	snop  }
0xa2: {  	[tilespmem:s23], [sflag:$0x1] =	stream.indirect_vreg.gather [hbm4b:s8+s4], $0x80, v2, vm0, $0xb8;
	[tilespmem:$0x1A000] =	vst v63  }
0xa3: {  	_ = 	snop  }
0xa4: {  	[tilespmem:s24], [sflag:$0x1] =	stream.indirect_vreg.gather [hbm4b:s9+s4], $0x80, v2, vm0, $0xb8;
	[tilespmem:$0x1A000] =	vst v63  }
0xa5: {  	_ = 	snop  }
0xa6: {  	[tilespmem:s25], [sflag:$0x1] =	stream.indirect_vreg.gather [hbm4b:s10+s4], $0x80, v2, vm0, $0xb8;
	[tilespmem:$0x1A000] =	vst v63  }
0xa7: {  	_ = 	snop  }
0xa8: {  	[tilespmem:s30], [sflag:$0x1] =	stream.indirect_vreg.gather [hbm4b:s11+s4], $0x80, v2, vm0, $0xb8;
	[tilespmem:$0x1A000] =	vst v63  }
0xa9: {  	_ = 	snop  }
0xaa: {  	[tilespmem:s31], [sflag:$0x1] =	stream.indirect_vreg.gather [hbm4b:s12+s4], $0x80, v2, vm0, $0xb8;
	[tilespmem:$0x1A000] =	vst v63  }
0xab: {  	s23 =	simm.s32 $0x6000  }
0xac: {  	[tilespmem:s23], [sflag:$0x1] =	stream.indirect_vreg.gather [hbm4b:s13+s4], $0x80, v2, vm0, $0xb8;
	[tilespmem:$0x1A000] =	vst v63  }
0xad: {  	s24 =	simm.s32 $0x6800  }
0xae: {  	[tilespmem:s24], [sflag:$0x1] =	stream.indirect_vreg.gather [hbm4b:s14+s4], $0x80, v2, vm0, $0xb8;
	[tilespmem:$0x1A000] =	vst v63  }
0xaf: {  	s25 =	simm.s32 $0x7000  }
0xb0: {  	[tilespmem:s25], [sflag:$0x1] =	stream.indirect_vreg.gather [hbm4b:s15+s4], $0x80, v2, vm0, $0xb8;
	[tilespmem:$0x1A000] =	vst v63  }
0xb1: {  	s30 =	simm.s32 $0x7800  }
0xb2: {  	[tilespmem:s30], [sflag:$0x1] =	stream.indirect_vreg.gather [hbm4b:s16+s4], $0x80, v2, vm0, $0xb8;
	[tilespmem:$0x1A000] =	vst v63  }
0xb3: {  	s5 =	simm.s32 $0x8000  }
0xb4: {  	[tilespmem:s5], [sflag:$0x1] =	stream.indirect_vreg.gather [hbm4b:s17+s4], $0x80, v2, vm0, $0xb8;
	[tilespmem:$0x1A000] =	vst v63  }
0xb5: {  	s22 =	simm.s32 $0x8800  }
0xb6: {  	[tilespmem:s22], [sflag:$0x1] =	stream.indirect_vreg.gather [hbm4b:s18+s4], $0x80, v2, vm0, $0xb8;
	[tilespmem:$0x1A000] =	vst v63  }
0xb7: {  	s23 =	simm.s32 $0x9000  }
0xb8: {  	[tilespmem:s23], [sflag:$0x1] =	stream.indirect_vreg.gather [hbm4b:s19+s4], $0x80, v2, vm0, $0xb8;
	[tilespmem:$0x1A000] =	vst v63  }
0xb9: {  	s24 =	simm.s32 $0x9800;
	s25 =	simm.s32 $0x2  }
0xba: {  	[tilespmem:s24], [sflag:$0x1] =	stream.indirect_vreg.gather [hbm4b:s20+s4], $0x80, v2, vm0, $0xb8;
	[tilespmem:$0x1A000] =	vst v63  }
0xbb: {  	_ =	swait.ge [sflag:s25], $0x8000  }
0xbc: {  	[sflag:s25] =	ssyncset.done $0x0  }
0xbd: {  	s5 =	simm.s32 $0x5;
	s30 =	rddreg [dreg:$0x7];
	[sflag:s25] =	ssyncadd.s32 $0xFFFF8000  }
0xbe: {  	[hbm4b:s30+s29] =	stream.strided.scatter [tilespmem:s21], [sflag:$0x5], $0x8000, s1, s29, $0x38;
	[tilespmem:$0x1A000] =	vst v63  }
0xbf: {  	_ =	swait.ge [sflag:s5], $0x8000  }
0xc0: {  	[sflag:s5] =	ssyncset.done $0x0  }
0xc1: {  	[sflag:s5] =	ssyncadd.s32 $0xFFFF8000  }
0xc2: {  	v2 =	vld.msk [tilespmem:$0x200], $0xf;
	_ =	sdelay $0x4  }
0xc3: {  	v3 =	vshll.u32 v2, $0x6  }
0xc4: {  	v2 =	vand.u32 $0x7, v2;
	v3 =	vand.u32 $0xFFFFFE00, v3  }
0xc5: {  	v2 =	vor.u32 v2, v3  }
0xc6: {  	v2 =	vperm.xlane v2, v0;
	_ =	sdelay $0x1  }
0xc7: {  	v2 =	vadd.s32 v1, v2;
	_ =	sdelay $0x4  }
0xc8: {  	[tilespmem:s21], [sflag:$0x2] =	stream.indirect_vreg.gather [hbm4b:s2+s4], $0x80, v2, vm0, $0xb8;
	[tilespmem:$0x1A000] =	vst v63  }
0xc9: {  	_ = 	snop  }
0xca: {  	[tilespmem:s0], [sflag:$0x2] =	stream.indirect_vreg.gather [hbm4b:s6+s4], $0x80, v2, vm0, $0xb8;
	[tilespmem:$0x1A000] =	vst v63  }
0xcb: {  	s28 =	simm.s32 $0xB000  }
0xcc: {  	[tilespmem:s28], [sflag:$0x2] =	stream.indirect_vreg.gather [hbm4b:s7+s4], $0x80, v2, vm0, $0xb8;
	[tilespmem:$0x1A000] =	vst v63  }
0xcd: {  	s22 =	simm.s32 $0xB800  }
0xce: {  	[tilespmem:s22], [sflag:$0x2] =	stream.indirect_vreg.gather [hbm4b:s8+s4], $0x80, v2, vm0, $0xb8;
	[tilespmem:$0x1A000] =	vst v63  }
0xcf: {  	s23 =	simm.s32 $0xC000  }
0xd0: {  	[tilespmem:s23], [sflag:$0x2] =	stream.indirect_vreg.gather [hbm4b:s9+s4], $0x80, v2, vm0, $0xb8;
	[tilespmem:$0x1A000] =	vst v63  }
0xd1: {  	s24 =	simm.s32 $0xC800  }
0xd2: {  	[tilespmem:s24], [sflag:$0x2] =	stream.indirect_vreg.gather [hbm4b:s10+s4], $0x80, v2, vm0, $0xb8;
	[tilespmem:$0x1A000] =	vst v63  }
0xd3: {  	s25 =	simm.s32 $0xD000  }
0xd4: {  	[tilespmem:s25], [sflag:$0x2] =	stream.indirect_vreg.gather [hbm4b:s11+s4], $0x80, v2, vm0, $0xb8;
	[tilespmem:$0x1A000] =	vst v63  }
0xd5: {  	s28 =	simm.s32 $0xD800  }
0xd6: {  	[tilespmem:s28], [sflag:$0x2] =	stream.indirect_vreg.gather [hbm4b:s12+s4], $0x80, v2, vm0, $0xb8;
	[tilespmem:$0x1A000] =	vst v63  }
0xd7: {  	s30 =	simm.s32 $0xE000  }
0xd8: {  	[tilespmem:s30], [sflag:$0x2] =	stream.indirect_vreg.gather [hbm4b:s13+s4], $0x80, v2, vm0, $0xb8;
	[tilespmem:$0x1A000] =	vst v63  }
0xd9: {  	s2 =	simm.s32 $0xE800  }
0xda: {  	[tilespmem:s2], [sflag:$0x2] =	stream.indirect_vreg.gather [hbm4b:s14+s4], $0x80, v2, vm0, $0xb8;
	[tilespmem:$0x1A000] =	vst v63  }
0xdb: {  	s3 =	simm.s32 $0xF000  }
0xdc: {  	[tilespmem:s3], [sflag:$0x2] =	stream.indirect_vreg.gather [hbm4b:s15+s4], $0x80, v2, vm0, $0xb8;
	[tilespmem:$0x1A000] =	vst v63  }
0xdd: {  	s5 =	simm.s32 $0xF800  }
0xde: {  	[tilespmem:s5], [sflag:$0x2] =	stream.indirect_vreg.gather [hbm4b:s16+s4], $0x80, v2, vm0, $0xb8;
	[tilespmem:$0x1A000] =	vst v63  }
0xdf: {  	s21 =	simm.s32 $0x10000  }
0xe0: {  	[tilespmem:s21], [sflag:$0x2] =	stream.indirect_vreg.gather [hbm4b:s17+s4], $0x80, v2, vm0, $0xb8;
	[tilespmem:$0x1A000] =	vst v63  }
0xe1: {  	s22 =	simm.s32 $0x10800  }
0xe2: {  	[tilespmem:s22], [sflag:$0x2] =	stream.indirect_vreg.gather [hbm4b:s18+s4], $0x80, v2, vm0, $0xb8;
	[tilespmem:$0x1A000] =	vst v63  }
0xe3: {  	s23 =	simm.s32 $0x11000  }
0xe4: {  	[tilespmem:s23], [sflag:$0x2] =	stream.indirect_vreg.gather [hbm4b:s19+s4], $0x80, v2, vm0, $0xb8;
	[tilespmem:$0x1A000] =	vst v63  }
0xe5: {  	s24 =	simm.s32 $0x11800;
	s25 =	simm.s32 $0x3  }
0xe6: {  	[tilespmem:s24], [sflag:$0x2] =	stream.indirect_vreg.gather [hbm4b:s20+s4], $0x80, v2, vm0, $0xb8;
	[tilespmem:$0x1A000] =	vst v63  }
0xe7: {  	_ =	swait.ge [sflag:s25], $0x8000  }
0xe8: {  	s31 =	simm.s32 $0x0;
	s30 =	simm.s32 $0x12000;
	[sflag:s25] =	ssyncset.done $0x0  }
0xe9: {  	s3 =	simm.s32 $0x100;
	s28 =	rddreg [dreg:$0x8];
	[sflag:s25] =	ssyncadd.s32 $0xFFFF8000  }
0xea: {  	[hbm4b:s28+s29] =	stream.strided.scatter [tilespmem:s30], [sflag:$0x6], $0x8000, s1, s29, $0x38;
	[tilespmem:$0x1A000] =	vst v63  }
0xeb: {  	s5 =	simm.s32 $0x40;
	s25 =	simm.s32 $0x380;
	s21 =	rddreg [dreg:$0x2]  }
.LBB2_2:
0xec: {  	_ =	swait.ge [sflag:s26], $0x8000  }
0xed: {  	[sflag:s26] =	ssyncset.done $0x0  }
0xee: {  	[sflag:s26] =	ssyncadd.s32 $0xFFFF8000  }
0xef: {  	v2 =	vld.msk [tilespmem:s25+$0xFFFFFF00], $0xf;
	_ =	sdelay $0x4  }
0xf0: {  	v3 =	vshll.u32 v2, $0x6  }
0xf1: {  	v2 =	vand.u32 $0x7, v2;
	v3 =	vand.u32 $0xFFFFFE00, v3  }
0xf2: {  	v2 =	vor.u32 v2, v3  }
0xf3: {  	v2 =	vperm.xlane v2, v0;
	_ =	sdelay $0x1  }
0xf4: {  	v2 =	vadd.s32 v1, v2;
	_ =	sdelay $0x3  }
0xf5: {  	s28 =	simm.s32 $0x12000;
	s30 =	rddreg [dreg:$0x1]  }
0xf6: {  	[tilespmem:s28], [sflag:$0x3] =	stream.indirect_vreg.gather [hbm4b:s30+s4], $0x80, v2, vm0, $0xb8;
	[tilespmem:$0x1A000] =	vst v63  }
0xf7: {  	s0 =	simm.s32 $0x12800  }
0xf8: {  	[tilespmem:s0], [sflag:$0x3] =	stream.indirect_vreg.gather [hbm4b:s6+s4], $0x80, v2, vm0, $0xb8;
	[tilespmem:$0x1A000] =	vst v63  }
0xf9: {  	s24 =	simm.s32 $0x13000  }
0xfa: {  	[tilespmem:s24], [sflag:$0x3] =	stream.indirect_vreg.gather [hbm4b:s7+s4], $0x80, v2, vm0, $0xb8;
	[tilespmem:$0x1A000] =	vst v63  }
0xfb: {  	s29 =	simm.s32 $0x13800  }
0xfc: {  	[tilespmem:s29], [sflag:$0x3] =	stream.indirect_vreg.gather [hbm4b:s8+s4], $0x80, v2, vm0, $0xb8;
	[tilespmem:$0x1A000] =	vst v63  }
0xfd: {  	s1 =	simm.s32 $0x14000  }
0xfe: {  	[tilespmem:s1], [sflag:$0x3] =	stream.indirect_vreg.gather [hbm4b:s9+s4], $0x80, v2, vm0, $0xb8;
	[tilespmem:$0x1A000] =	vst v63  }
0xff: {  	s2 =	simm.s32 $0x14800  }
0x100: {  	[tilespmem:s2], [sflag:$0x3] =	stream.indirect_vreg.gather [hbm4b:s10+s4], $0x80, v2, vm0, $0xb8;
	[tilespmem:$0x1A000] =	vst v63  }
0x101: {  	s22 =	simm.s32 $0x15000  }
0x102: {  	[tilespmem:s22], [sflag:$0x3] =	stream.indirect_vreg.gather [hbm4b:s11+s4], $0x80, v2, vm0, $0xb8;
	[tilespmem:$0x1A000] =	vst v63  }
0x103: {  	s23 =	simm.s32 $0x15800  }
0x104: {  	[tilespmem:s23], [sflag:$0x3] =	stream.indirect_vreg.gather [hbm4b:s12+s4], $0x80, v2, vm0, $0xb8;
	[tilespmem:$0x1A000] =	vst v63  }
0x105: {  	s24 =	simm.s32 $0x16000  }
0x106: {  	[tilespmem:s24], [sflag:$0x3] =	stream.indirect_vreg.gather [hbm4b:s13+s4], $0x80, v2, vm0, $0xb8;
	[tilespmem:$0x1A000] =	vst v63  }
0x107: {  	s29 =	simm.s32 $0x16800  }
0x108: {  	[tilespmem:s29], [sflag:$0x3] =	stream.indirect_vreg.gather [hbm4b:s14+s4], $0x80, v2, vm0, $0xb8;
	[tilespmem:$0x1A000] =	vst v63  }
0x109: {  	s1 =	simm.s32 $0x17000  }
0x10a: {  	[tilespmem:s1], [sflag:$0x3] =	stream.indirect_vreg.gather [hbm4b:s15+s4], $0x80, v2, vm0, $0xb8;
	[tilespmem:$0x1A000] =	vst v63  }
0x10b: {  	s2 =	simm.s32 $0x17800  }
0x10c: {  	[tilespmem:s2], [sflag:$0x3] =	stream.indirect_vreg.gather [hbm4b:s16+s4], $0x80, v2, vm0, $0xb8;
	[tilespmem:$0x1A000] =	vst v63  }
0x10d: {  	s22 =	simm.s32 $0x18000  }
0x10e: {  	[tilespmem:s22], [sflag:$0x3] =	stream.indirect_vreg.gather [hbm4b:s17+s4], $0x80, v2, vm0, $0xb8;
	[tilespmem:$0x1A000] =	vst v63  }
0x10f: {  	s23 =	simm.s32 $0x18800  }
0x110: {  	[tilespmem:s23], [sflag:$0x3] =	stream.indirect_vreg.gather [hbm4b:s18+s4], $0x80, v2, vm0, $0xb8;
	[tilespmem:$0x1A000] =	vst v63  }
0x111: {  	s24 =	simm.s32 $0x19000  }
0x112: {  	[tilespmem:s24], [sflag:$0x3] =	stream.indirect_vreg.gather [hbm4b:s19+s4], $0x80, v2, vm0, $0xb8;
	[tilespmem:$0x1A000] =	vst v63  }
0x113: {  	s29 =	simm.s32 $0x19800;
	s1 =	simm.s32 $0x1  }
0x114: {  	[tilespmem:s29], [sflag:$0x3] =	stream.indirect_vreg.gather [hbm4b:s20+s4], $0x80, v2, vm0, $0xb8;
	[tilespmem:$0x1A000] =	vst v63  }
0x115: {  	_ =	swait.ge [sflag:s1], $0x8000  }
0x116: {  	s22 =	rddreg [dreg:$0x4]  }
0x117: {  	s2 =	sand.u32 $0x40, s5;
	s22 =	sadd.s32 s31, s22  }
0x118: {  	s29 =	simm.s32 $0x200;
	[sflag:s1] =	ssyncset.done $0x0;
	s23 =	sadd.s32 $0x3000, s22  }
0x119: {  	[sflag:s1] =	ssyncadd.s32 $0xFFFF8000;
	s24 =	sand.u32 $0xFFFE000, s23;
	s23 =	sadd.s32 s21, s2  }
0x11a: {  	s1 =	simm.s32 $0x400;
	s2 =	sadd.s32 s24, s23;
	s24 =	simm.s32 $0x2000  }
0x11b: {  	[hbm4b:s2+s29] =	stream.strided.scatter [tilespmem:s24], [sflag:$0x4], $0x8000, s1, s29, $0x38;
	[tilespmem:$0x1A000] =	vst v63  }
0x11c: {  	s2 =	simm.s32 $0x4  }
0x11d: {  	_ =	swait.ge [sflag:s2], $0x8000  }
0x11e: {  	[sflag:s2] =	ssyncset.done $0x0  }
0x11f: {  	[sflag:s2] =	ssyncadd.s32 $0xFFFF8000  }
0x120: {  	v2 =	vld.msk [tilespmem:s25+$0xFFFFFF80], $0xf;
	_ =	sdelay $0x4  }
0x121: {  	v3 =	vshll.u32 v2, $0x6  }
0x122: {  	v2 =	vand.u32 $0x7, v2;
	v3 =	vand.u32 $0xFFFFFE00, v3  }
0x123: {  	v2 =	vor.u32 v2, v3  }
0x124: {  	v2 =	vperm.xlane v2, v0;
	_ =	sdelay $0x1  }
0x125: {  	v2 =	vadd.s32 v1, v2;
	_ =	sdelay $0x4  }
0x126: {  	[tilespmem:s24], [sflag:$0x1] =	stream.indirect_vreg.gather [hbm4b:s30+s4], $0x80, v2, vm0, $0xb8;
	[tilespmem:$0x1A000] =	vst v63  }
0x127: {  	s0 =	simm.s32 $0x2800  }
0x128: {  	[tilespmem:s0], [sflag:$0x1] =	stream.indirect_vreg.gather [hbm4b:s6+s4], $0x80, v2, vm0, $0xb8;
	[tilespmem:$0x1A000] =	vst v63  }
0x129: {  	s24 =	simm.s32 $0x3000  }
0x12a: {  	[tilespmem:s24], [sflag:$0x1] =	stream.indirect_vreg.gather [hbm4b:s7+s4], $0x80, v2, vm0, $0xb8;
	[tilespmem:$0x1A000] =	vst v63  }
0x12b: {  	s0 =	simm.s32 $0x3800  }
0x12c: {  	[tilespmem:s0], [sflag:$0x1] =	stream.indirect_vreg.gather [hbm4b:s8+s4], $0x80, v2, vm0, $0xb8;
	[tilespmem:$0x1A000] =	vst v63  }
0x12d: {  	s24 =	simm.s32 $0x4000  }
0x12e: {  	[tilespmem:s24], [sflag:$0x1] =	stream.indirect_vreg.gather [hbm4b:s9+s4], $0x80, v2, vm0, $0xb8;
	[tilespmem:$0x1A000] =	vst v63  }
0x12f: {  	s0 =	simm.s32 $0x4800  }
0x130: {  	[tilespmem:s0], [sflag:$0x1] =	stream.indirect_vreg.gather [hbm4b:s10+s4], $0x80, v2, vm0, $0xb8;
	[tilespmem:$0x1A000] =	vst v63  }
0x131: {  	s24 =	simm.s32 $0x5000  }
0x132: {  	[tilespmem:s24], [sflag:$0x1] =	stream.indirect_vreg.gather [hbm4b:s11+s4], $0x80, v2, vm0, $0xb8;
	[tilespmem:$0x1A000] =	vst v63  }
0x133: {  	s0 =	simm.s32 $0x5800  }
0x134: {  	[tilespmem:s0], [sflag:$0x1] =	stream.indirect_vreg.gather [hbm4b:s12+s4], $0x80, v2, vm0, $0xb8;
	[tilespmem:$0x1A000] =	vst v63  }
0x135: {  	s24 =	simm.s32 $0x6000  }
0x136: {  	[tilespmem:s24], [sflag:$0x1] =	stream.indirect_vreg.gather [hbm4b:s13+s4], $0x80, v2, vm0, $0xb8;
	[tilespmem:$0x1A000] =	vst v63  }
0x137: {  	s0 =	simm.s32 $0x6800  }
0x138: {  	[tilespmem:s0], [sflag:$0x1] =	stream.indirect_vreg.gather [hbm4b:s14+s4], $0x80, v2, vm0, $0xb8;
	[tilespmem:$0x1A000] =	vst v63  }
0x139: {  	s24 =	simm.s32 $0x7000  }
0x13a: {  	[tilespmem:s24], [sflag:$0x1] =	stream.indirect_vreg.gather [hbm4b:s15+s4], $0x80, v2, vm0, $0xb8;
	[tilespmem:$0x1A000] =	vst v63  }
0x13b: {  	s0 =	simm.s32 $0x7800  }
0x13c: {  	[tilespmem:s0], [sflag:$0x1] =	stream.indirect_vreg.gather [hbm4b:s16+s4], $0x80, v2, vm0, $0xb8;
	[tilespmem:$0x1A000] =	vst v63  }
0x13d: {  	s24 =	simm.s32 $0x8000  }
0x13e: {  	[tilespmem:s24], [sflag:$0x1] =	stream.indirect_vreg.gather [hbm4b:s17+s4], $0x80, v2, vm0, $0xb8;
	[tilespmem:$0x1A000] =	vst v63  }
0x13f: {  	s0 =	simm.s32 $0x8800  }
0x140: {  	[tilespmem:s0], [sflag:$0x1] =	stream.indirect_vreg.gather [hbm4b:s18+s4], $0x80, v2, vm0, $0xb8;
	[tilespmem:$0x1A000] =	vst v63  }
0x141: {  	s24 =	simm.s32 $0x9000  }
0x142: {  	[tilespmem:s24], [sflag:$0x1] =	stream.indirect_vreg.gather [hbm4b:s19+s4], $0x80, v2, vm0, $0xb8;
	[tilespmem:$0x1A000] =	vst v63  }
0x143: {  	s0 =	simm.s32 $0x9800  }
0x144: {  	[tilespmem:s0], [sflag:$0x1] =	stream.indirect_vreg.gather [hbm4b:s20+s4], $0x80, v2, vm0, $0xb8;
	[tilespmem:$0x1A000] =	vst v63  }
0x145: {  	s2 =	sadd.s32 $0x4000, s22;
	s24 =	sand.u32 $0x40, s3;
	s0 =	simm.s32 $0x2  }
0x146: {  	s2 =	sand.u32 $0xFFFE000, s2;
	s24 =	sadd.s32 s21, s24;
	_ =	swait.ge [sflag:s0], $0x8000  }
0x147: {  	s2 =	sadd.s32 s2, s24;
	[sflag:s0] =	ssyncset.done $0x0  }
0x148: {  	s24 =	simm.s32 $0x5;
	[sflag:s0] =	ssyncadd.s32 $0xFFFF8000;
	s0 =	simm.s32 $0xA000  }
0x149: {  	[hbm4b:s2+s29] =	stream.strided.scatter [tilespmem:s0], [sflag:$0x5], $0x8000, s1, s29, $0x38;
	[tilespmem:$0x1A000] =	vst v63  }
0x14a: {  	_ =	swait.ge [sflag:s24], $0x8000  }
0x14b: {  	[sflag:s24] =	ssyncset.done $0x0  }
0x14c: {  	[sflag:s24] =	ssyncadd.s32 $0xFFFF8000  }
0x14d: {  	v2 =	vld.msk [tilespmem:s25+$0x0], $0xf;
	_ =	sdelay $0x4  }
0x14e: {  	v3 =	vshll.u32 v2, $0x6  }
0x14f: {  	v2 =	vand.u32 $0x7, v2;
	v3 =	vand.u32 $0xFFFFFE00, v3  }
0x150: {  	v2 =	vor.u32 v2, v3  }
0x151: {  	v2 =	vperm.xlane v2, v0;
	_ =	sdelay $0x1  }
0x152: {  	v2 =	vadd.s32 v1, v2;
	_ =	sdelay $0x4  }
0x153: {  	[tilespmem:s0], [sflag:$0x2] =	stream.indirect_vreg.gather [hbm4b:s30+s4], $0x80, v2, vm0, $0xb8;
	[tilespmem:$0x1A000] =	vst v63  }
0x154: {  	s0 =	simm.s32 $0xA800  }
0x155: {  	[tilespmem:s0], [sflag:$0x2] =	stream.indirect_vreg.gather [hbm4b:s6+s4], $0x80, v2, vm0, $0xb8;
	[tilespmem:$0x1A000] =	vst v63  }
0x156: {  	s30 =	simm.s32 $0xB000  }
0x157: {  	[tilespmem:s30], [sflag:$0x2] =	stream.indirect_vreg.gather [hbm4b:s7+s4], $0x80, v2, vm0, $0xb8;
	[tilespmem:$0x1A000] =	vst v63  }
0x158: {  	s30 =	simm.s32 $0xB800  }
0x159: {  	[tilespmem:s30], [sflag:$0x2] =	stream.indirect_vreg.gather [hbm4b:s8+s4], $0x80, v2, vm0, $0xb8;
	[tilespmem:$0x1A000] =	vst v63  }
0x15a: {  	s30 =	simm.s32 $0xC000  }
0x15b: {  	[tilespmem:s30], [sflag:$0x2] =	stream.indirect_vreg.gather [hbm4b:s9+s4], $0x80, v2, vm0, $0xb8;
	[tilespmem:$0x1A000] =	vst v63  }
0x15c: {  	s30 =	simm.s32 $0xC800  }
0x15d: {  	[tilespmem:s30], [sflag:$0x2] =	stream.indirect_vreg.gather [hbm4b:s10+s4], $0x80, v2, vm0, $0xb8;
	[tilespmem:$0x1A000] =	vst v63  }
0x15e: {  	s30 =	simm.s32 $0xD000  }
0x15f: {  	[tilespmem:s30], [sflag:$0x2] =	stream.indirect_vreg.gather [hbm4b:s11+s4], $0x80, v2, vm0, $0xb8;
	[tilespmem:$0x1A000] =	vst v63  }
0x160: {  	s30 =	simm.s32 $0xD800  }
0x161: {  	[tilespmem:s30], [sflag:$0x2] =	stream.indirect_vreg.gather [hbm4b:s12+s4], $0x80, v2, vm0, $0xb8;
	[tilespmem:$0x1A000] =	vst v63  }
0x162: {  	s30 =	simm.s32 $0xE000  }
0x163: {  	[tilespmem:s30], [sflag:$0x2] =	stream.indirect_vreg.gather [hbm4b:s13+s4], $0x80, v2, vm0, $0xb8;
	[tilespmem:$0x1A000] =	vst v63  }
0x164: {  	s30 =	simm.s32 $0xE800  }
0x165: {  	[tilespmem:s30], [sflag:$0x2] =	stream.indirect_vreg.gather [hbm4b:s14+s4], $0x80, v2, vm0, $0xb8;
	[tilespmem:$0x1A000] =	vst v63  }
0x166: {  	s30 =	simm.s32 $0xF000  }
0x167: {  	[tilespmem:s30], [sflag:$0x2] =	stream.indirect_vreg.gather [hbm4b:s15+s4], $0x80, v2, vm0, $0xb8;
	[tilespmem:$0x1A000] =	vst v63  }
0x168: {  	s30 =	simm.s32 $0xF800  }
0x169: {  	[tilespmem:s30], [sflag:$0x2] =	stream.indirect_vreg.gather [hbm4b:s16+s4], $0x80, v2, vm0, $0xb8;
	[tilespmem:$0x1A000] =	vst v63  }
0x16a: {  	s30 =	simm.s32 $0x10000  }
0x16b: {  	[tilespmem:s30], [sflag:$0x2] =	stream.indirect_vreg.gather [hbm4b:s17+s4], $0x80, v2, vm0, $0xb8;
	[tilespmem:$0x1A000] =	vst v63  }
0x16c: {  	s30 =	simm.s32 $0x10800  }
0x16d: {  	[tilespmem:s30], [sflag:$0x2] =	stream.indirect_vreg.gather [hbm4b:s18+s4], $0x80, v2, vm0, $0xb8;
	[tilespmem:$0x1A000] =	vst v63  }
0x16e: {  	s30 =	simm.s32 $0x11000  }
0x16f: {  	[tilespmem:s30], [sflag:$0x2] =	stream.indirect_vreg.gather [hbm4b:s19+s4], $0x80, v2, vm0, $0xb8;
	[tilespmem:$0x1A000] =	vst v63  }
0x170: {  	p0 =	sne.s32 s31, $0x36000;
	s5 =	sadd.s32 $0x40, s5;
	s30 =	simm.s32 $0x11800  }
0x171: {  	[tilespmem:s30], [sflag:$0x2] =	stream.indirect_vreg.gather [hbm4b:s20+s4], $0x80, v2, vm0, $0xb8;
	[tilespmem:$0x1A000] =	vst v63  }
.Ltmp0:
0x172: {  	s22 =	sadd.s32 $0x5000, s22;
	s30 =	simm.s32 $0x3;
	(pc) =	sbr.rel @p0 .LBB2_2-.Ltmp0, $4  }
0x173: {  	s31 =	sadd.s32 $0x3000, s31;
	s2 =	sand.u32 $0xFFE000, s22;
	_ =	swait.ge [sflag:s30], $0x8000  }
0x174: {  	s3 =	sadd.s32 $0xC0, s3;
	s2 =	sadd.s32 s2, s23;
	[sflag:s30] =	ssyncset.done $0x0  }
0x175: {  	s24 =	simm.s32 $0xA000;
	s25 =	sadd.s32 $0x180, s25;
	[sflag:s30] =	ssyncadd.s32 $0xFFFF8000  }
0x176: {  	[hbm4b:s2+s29] =	stream.strided.scatter [tilespmem:s28], [sflag:$0x6], $0x8000, s1, s29, $0x38;
	[tilespmem:$0x1A000] =	vst v63  }
0x177: {  	_ =	swait.ge [sflag:s26], $0x8000  }
0x178: {  	[sflag:s26] =	ssyncset.done $0x0  }
0x179: {  	[sflag:s26] =	ssyncadd.s32 $0xFFFF8000  }
0x17a: {  	v2 =	vld.msk [tilespmem:$0x1F00], $0xf;
	_ =	sdelay $0x4  }
0x17b: {  	v3 =	vshll.u32 v2, $0x6  }
0x17c: {  	v2 =	vand.u32 $0x7, v2;
	v3 =	vand.u32 $0xFFFFFE00, v3  }
0x17d: {  	v2 =	vor.u32 v2, v3  }
0x17e: {  	v2 =	vperm.xlane v2, v0;
	_ =	sdelay $0x1  }
0x17f: {  	v2 =	vadd.s32 v1, v2;
	_ =	sdelay $0x3  }
0x180: {  	s21 =	simm.s32 $0x12000;
	s2 =	rddreg [dreg:$0x1]  }
0x181: {  	[tilespmem:s21], [sflag:$0x3] =	stream.indirect_vreg.gather [hbm4b:s2+s4], $0x80, v2, vm0, $0xb8;
	[tilespmem:$0x1A000] =	vst v63  }
0x182: {  	s3 =	simm.s32 $0x12800  }
0x183: {  	[tilespmem:s3], [sflag:$0x3] =	stream.indirect_vreg.gather [hbm4b:s6+s4], $0x80, v2, vm0, $0xb8;
	[tilespmem:$0x1A000] =	vst v63  }
0x184: {  	s5 =	simm.s32 $0x13000  }
0x185: {  	[tilespmem:s5], [sflag:$0x3] =	stream.indirect_vreg.gather [hbm4b:s7+s4], $0x80, v2, vm0, $0xb8;
	[tilespmem:$0x1A000] =	vst v63  }
0x186: {  	s22 =	simm.s32 $0x13800  }
0x187: {  	[tilespmem:s22], [sflag:$0x3] =	stream.indirect_vreg.gather [hbm4b:s8+s4], $0x80, v2, vm0, $0xb8;
	[tilespmem:$0x1A000] =	vst v63  }
0x188: {  	s23 =	simm.s32 $0x14000  }
0x189: {  	[tilespmem:s23], [sflag:$0x3] =	stream.indirect_vreg.gather [hbm4b:s9+s4], $0x80, v2, vm0, $0xb8;
	[tilespmem:$0x1A000] =	vst v63  }
0x18a: {  	s25 =	simm.s32 $0x14800  }
0x18b: {  	[tilespmem:s25], [sflag:$0x3] =	stream.indirect_vreg.gather [hbm4b:s10+s4], $0x80, v2, vm0, $0xb8;
	[tilespmem:$0x1A000] =	vst v63  }
0x18c: {  	s28 =	simm.s32 $0x15000  }
0x18d: {  	[tilespmem:s28], [sflag:$0x3] =	stream.indirect_vreg.gather [hbm4b:s11+s4], $0x80, v2, vm0, $0xb8;
	[tilespmem:$0x1A000] =	vst v63  }
0x18e: {  	s29 =	simm.s32 $0x15800  }
0x18f: {  	[tilespmem:s29], [sflag:$0x3] =	stream.indirect_vreg.gather [hbm4b:s12+s4], $0x80, v2, vm0, $0xb8;
	[tilespmem:$0x1A000] =	vst v63  }
0x190: {  	s30 =	simm.s32 $0x16000  }
0x191: {  	[tilespmem:s30], [sflag:$0x3] =	stream.indirect_vreg.gather [hbm4b:s13+s4], $0x80, v2, vm0, $0xb8;
	[tilespmem:$0x1A000] =	vst v63  }
0x192: {  	s31 =	simm.s32 $0x16800  }
0x193: {  	[tilespmem:s31], [sflag:$0x3] =	stream.indirect_vreg.gather [hbm4b:s14+s4], $0x80, v2, vm0, $0xb8;
	[tilespmem:$0x1A000] =	vst v63  }
0x194: {  	s1 =	simm.s32 $0x17000  }
0x195: {  	[tilespmem:s1], [sflag:$0x3] =	stream.indirect_vreg.gather [hbm4b:s15+s4], $0x80, v2, vm0, $0xb8;
	[tilespmem:$0x1A000] =	vst v63  }
0x196: {  	s5 =	simm.s32 $0x17800  }
0x197: {  	[tilespmem:s5], [sflag:$0x3] =	stream.indirect_vreg.gather [hbm4b:s16+s4], $0x80, v2, vm0, $0xb8;
	[tilespmem:$0x1A000] =	vst v63  }
0x198: {  	s22 =	simm.s32 $0x18000  }
0x199: {  	[tilespmem:s22], [sflag:$0x3] =	stream.indirect_vreg.gather [hbm4b:s17+s4], $0x80, v2, vm0, $0xb8;
	[tilespmem:$0x1A000] =	vst v63  }
0x19a: {  	s23 =	simm.s32 $0x18800  }
0x19b: {  	[tilespmem:s23], [sflag:$0x3] =	stream.indirect_vreg.gather [hbm4b:s18+s4], $0x80, v2, vm0, $0xb8;
	[tilespmem:$0x1A000] =	vst v63  }
0x19c: {  	s25 =	simm.s32 $0x19000  }
0x19d: {  	[tilespmem:s25], [sflag:$0x3] =	stream.indirect_vreg.gather [hbm4b:s19+s4], $0x80, v2, vm0, $0xb8;
	[tilespmem:$0x1A000] =	vst v63  }
0x19e: {  	s28 =	simm.s32 $0x19800;
	s23 =	simm.s32 $0x1  }
0x19f: {  	[tilespmem:s28], [sflag:$0x3] =	stream.indirect_vreg.gather [hbm4b:s20+s4], $0x80, v2, vm0, $0xb8;
	[tilespmem:$0x1A000] =	vst v63  }
0x1a0: {  	s3 =	simm.s32 $0x4;
	_ =	swait.ge [sflag:s23], $0x8000  }
0x1a1: {  	s1 =	simm.s32 $0x400;
	s5 =	simm.s32 $0x2000;
	[sflag:s23] =	ssyncset.done $0x0  }
0x1a2: {  	s22 =	simm.s32 $0x200;
	s29 =	rddreg [dreg:$0x9];
	[sflag:s23] =	ssyncadd.s32 $0xFFFF8000  }
0x1a3: {  	[hbm4b:s29+s22] =	stream.strided.scatter [tilespmem:s5], [sflag:$0x4], $0x8000, s1, s22, $0x38;
	[tilespmem:$0x1A000] =	vst v63  }
0x1a4: {  	_ =	swait.ge [sflag:s3], $0x8000  }
0x1a5: {  	[sflag:s3] =	ssyncset.done $0x0  }
0x1a6: {  	[sflag:s3] =	ssyncadd.s32 $0xFFFF8000  }
0x1a7: {  	v2 =	vld.msk [tilespmem:$0x1F80], $0xf;
	_ =	sdelay $0x4  }
0x1a8: {  	v3 =	vshll.u32 v2, $0x6  }
0x1a9: {  	v2 =	vand.u32 $0x7, v2;
	v3 =	vand.u32 $0xFFFFFE00, v3  }
0x1aa: {  	v2 =	vor.u32 v2, v3  }
0x1ab: {  	v2 =	vperm.xlane v2, v0;
	_ =	sdelay $0x1  }
0x1ac: {  	v2 =	vadd.s32 v1, v2;
	_ =	sdelay $0x4  }
0x1ad: {  	[tilespmem:s5], [sflag:$0x1] =	stream.indirect_vreg.gather [hbm4b:s2+s4], $0x80, v2, vm0, $0xb8;
	[tilespmem:$0x1A000] =	vst v63  }
0x1ae: {  	s30 =	simm.s32 $0x2800  }
0x1af: {  	[tilespmem:s30], [sflag:$0x1] =	stream.indirect_vreg.gather [hbm4b:s6+s4], $0x80, v2, vm0, $0xb8;
	[tilespmem:$0x1A000] =	vst v63  }
0x1b0: {  	s31 =	simm.s32 $0x3000  }
0x1b1: {  	[tilespmem:s31], [sflag:$0x1] =	stream.indirect_vreg.gather [hbm4b:s7+s4], $0x80, v2, vm0, $0xb8;
	[tilespmem:$0x1A000] =	vst v63  }
0x1b2: {  	s25 =	simm.s32 $0x3800  }
0x1b3: {  	[tilespmem:s25], [sflag:$0x1] =	stream.indirect_vreg.gather [hbm4b:s8+s4], $0x80, v2, vm0, $0xb8;
	[tilespmem:$0x1A000] =	vst v63  }
0x1b4: {  	s28 =	simm.s32 $0x4000  }
0x1b5: {  	[tilespmem:s28], [sflag:$0x1] =	stream.indirect_vreg.gather [hbm4b:s9+s4], $0x80, v2, vm0, $0xb8;
	[tilespmem:$0x1A000] =	vst v63  }
0x1b6: {  	s29 =	simm.s32 $0x4800  }
0x1b7: {  	[tilespmem:s29], [sflag:$0x1] =	stream.indirect_vreg.gather [hbm4b:s10+s4], $0x80, v2, vm0, $0xb8;
	[tilespmem:$0x1A000] =	vst v63  }
0x1b8: {  	s30 =	simm.s32 $0x5000  }
0x1b9: {  	[tilespmem:s30], [sflag:$0x1] =	stream.indirect_vreg.gather [hbm4b:s11+s4], $0x80, v2, vm0, $0xb8;
	[tilespmem:$0x1A000] =	vst v63  }
0x1ba: {  	s31 =	simm.s32 $0x5800  }
0x1bb: {  	[tilespmem:s31], [sflag:$0x1] =	stream.indirect_vreg.gather [hbm4b:s12+s4], $0x80, v2, vm0, $0xb8;
	[tilespmem:$0x1A000] =	vst v63  }
0x1bc: {  	s25 =	simm.s32 $0x6000  }
0x1bd: {  	[tilespmem:s25], [sflag:$0x1] =	stream.indirect_vreg.gather [hbm4b:s13+s4], $0x80, v2, vm0, $0xb8;
	[tilespmem:$0x1A000] =	vst v63  }
0x1be: {  	s28 =	simm.s32 $0x6800  }
0x1bf: {  	[tilespmem:s28], [sflag:$0x1] =	stream.indirect_vreg.gather [hbm4b:s14+s4], $0x80, v2, vm0, $0xb8;
	[tilespmem:$0x1A000] =	vst v63  }
0x1c0: {  	s29 =	simm.s32 $0x7000  }
0x1c1: {  	[tilespmem:s29], [sflag:$0x1] =	stream.indirect_vreg.gather [hbm4b:s15+s4], $0x80, v2, vm0, $0xb8;
	[tilespmem:$0x1A000] =	vst v63  }
0x1c2: {  	s30 =	simm.s32 $0x7800  }
0x1c3: {  	[tilespmem:s30], [sflag:$0x1] =	stream.indirect_vreg.gather [hbm4b:s16+s4], $0x80, v2, vm0, $0xb8;
	[tilespmem:$0x1A000] =	vst v63  }
0x1c4: {  	s31 =	simm.s32 $0x8000  }
0x1c5: {  	[tilespmem:s31], [sflag:$0x1] =	stream.indirect_vreg.gather [hbm4b:s17+s4], $0x80, v2, vm0, $0xb8;
	[tilespmem:$0x1A000] =	vst v63  }
0x1c6: {  	s25 =	simm.s32 $0x8800  }
0x1c7: {  	[tilespmem:s25], [sflag:$0x1] =	stream.indirect_vreg.gather [hbm4b:s18+s4], $0x80, v2, vm0, $0xb8;
	[tilespmem:$0x1A000] =	vst v63  }
0x1c8: {  	s28 =	simm.s32 $0x9000  }
0x1c9: {  	[tilespmem:s28], [sflag:$0x1] =	stream.indirect_vreg.gather [hbm4b:s19+s4], $0x80, v2, vm0, $0xb8;
	[tilespmem:$0x1A000] =	vst v63  }
0x1ca: {  	s29 =	simm.s32 $0x9800;
	s30 =	simm.s32 $0x2  }
0x1cb: {  	[tilespmem:s29], [sflag:$0x1] =	stream.indirect_vreg.gather [hbm4b:s20+s4], $0x80, v2, vm0, $0xb8;
	[tilespmem:$0x1A000] =	vst v63  }
0x1cc: {  	_ =	swait.ge [sflag:s30], $0x8000  }
0x1cd: {  	[sflag:s30] =	ssyncset.done $0x0  }
0x1ce: {  	s31 =	rddreg [dreg:$0xb];
	[sflag:s30] =	ssyncadd.s32 $0xFFFF8000  }
0x1cf: {  	[hbm4b:s31+s22] =	stream.strided.scatter [tilespmem:s24], [sflag:$0x5], $0x8000, s1, s22, $0x38;
	[tilespmem:$0x1A000] =	vst v63  }
0x1d0: {  	s24 =	simm.s32 $0x5  }
0x1d1: {  	_ =	swait.ge [sflag:s24], $0x8000  }
0x1d2: {  	[sflag:s24] =	ssyncset.done $0x0  }
0x1d3: {  	s25 =	simm.s32 $0x3;
	[sflag:s24] =	ssyncadd.s32 $0xFFFF8000  }
0x1d4: {  	_ =	swait.ge [sflag:s25], $0x8000  }
0x1d5: {  	[sflag:s25] =	ssyncset.done $0x0  }
0x1d6: {  	s28 =	rddreg [dreg:$0xc];
	[sflag:s25] =	ssyncadd.s32 $0xFFFF8000  }
0x1d7: {  	[hbm4b:s28+s22] =	stream.strided.scatter [tilespmem:s21], [sflag:$0x6], $0x8000, s1, s22, $0x38;
	[tilespmem:$0x1A000] =	vst v63  }
0x1d8: {  	_ =	swait.ge [sflag:s23], $0x8000  }
0x1d9: {  	[sflag:s23] =	ssyncset.done $0x0  }
0x1da: {  	s29 =	rddreg [dreg:$0xd];
	[sflag:s23] =	ssyncadd.s32 $0xFFFF8000  }
0x1db: {  	[hbm4b:s29+s22] =	stream.strided.scatter [tilespmem:s5], [sflag:$0x4], $0x8000, s1, s22, $0x38;
	[tilespmem:$0x1A000] =	vst v63  }
0x1dc: {  	_ =	swait.ge [sflag:s26], $0x8000  }
0x1dd: {  	[sflag:s26] =	ssyncset.done $0x0  }
0x1de: {  	[sflag:s26] =	ssyncadd.s32 $0xFFFF8000  }
0x1df: {  	_ =	swait.ge [sflag:s3], $0x8000  }
0x1e0: {  	s30 =	rddreg [dreg:$0xe]  }
0x1e1: {  	s31 =	rddreg [dreg:$0xa];
	s1 =	sadd.s32 $0x1, s30  }
0x1e2: {  	p0 =	sne.s32 s1, s31  }
.Ltmp1:
0x1e3: {  	_ = 	snop;
	(pc) =	sbr.rel @p0 .LBB2_1-.Ltmp1, $3  }
0x1e4: {  	_ =	sdelay $0x1  }
0x1e5: {  	[sflag:s3] =	ssyncset.done $0x0  }
0x1e6: {  	[sflag:s3] =	ssyncadd.s32 $0xFFFF8000;
	s3 =	simm.s32 $0xB000  }
0x1e7: {  	_ =	sfence.sel $0x180000  }
0x1e8: {  	[bflag:$0x0] =	sbarrier.arrive $0xFFFF  }
0x1e9: {  	_ =	strace $0x90000047  }
0x1ea: {  	s0 =	stileid.u32;
	[bflag:$0x2] =	sbarrier.arrive $0xFFFF  }
0x1eb: {  	p0 =	sne.s32 s0, $0x0;
	s0 =	rddreg [dreg:$0x3]  }
0x1ec: {  	s0 =	sadd.s32 @!p0 $0x100000, s0  }
0x1ed: {  	[sflag:s0] =	ssyncadd.tile.s32 @!p0 $0x1;
	_ =	shalt  }
.Lfunc_end2:
_tile_overlayer_lowered:
.L_overlay_start_2:
0x1ee: {  	(tag) =	ssettag $0x2  }
0x1ef: {  	s0 =	rddreg [dreg:$0x0];
	s2 =	stileid.u32  }
0x1f0: {  	s1 =	rddreg [dreg:$0x1];
	p0 =	sne.s32 s2, $0x0  }
0x1f1: {  	s3 =	rddreg [dreg:$0x2];
	[bflag:$0x3] =	sbarrier.arrive $0xFFFF;
	s2 =	simm.s32 @!p0 $0x1C07  }
0x1f2: {  	[timem:s3], [sflag:s2] =	dma.local @!p0 [hbm:s0], s1  }
0x1f3: {  	s0 =	simm.s32 @!p0 $0x7  }
0x1f4: {  	_ =	swait.ge @!p0 [sflag:s0], s1  }
0x1f5: {  	s1 =	ssub.s32 @!p0 $0x0, s1;
	[sflag:s0] =	ssyncset.done @!p0 $0x0  }
0x1f6: {  	[sflag:s0] =	ssyncadd.s32 @!p0 s1  }
0x1f7: {  	[bflag:$0x3] =	sbarrier.arrive $0xFFFF  }
0x1f8: {  	_ =	shalt  }

</sc_bundles>
